<compile_context>
chip_gen: v7x
topology: tpu7x:2x2x1
jax: 0.10.2.dev20260603
libtpu: 0.0.44.dev20260713+nightly
codegen_flags: <defaults>
</compile_context>

<pallas_src>
import functools

import jax
import jax.numpy as jnp
from jax import lax
from jax.experimental import pallas as pl
from jax.experimental.pallas import tpu as pltpu
from jax.experimental.pallas import tpu_sc as plsc

NC = 2
NS = 16
LN = 16
CHW = 128


DW = 128


def _sc_degree(num_chunks: int, np_: int):
    slc = np_ // NS
    mesh = plsc.VectorSubcoreMesh(core_axis_name="c", subcore_axis_name="s")

    @functools.partial(
        pl.kernel,
        out_type=jax.ShapeDtypeStruct((NC * np_, DW), jnp.float32),
        mesh=mesh,
        scratch_types=[
            pltpu.VMEM((num_chunks, CHW), jnp.int32),
            pltpu.VMEM((CHW, DW), jnp.float32),
            pltpu.VMEM_SHARED((np_, DW), jnp.float32),
        ],
    )
    def deg_kernel(didx_hbm, out_hbm, idx_v, ones_v, hist_sh):
        c = lax.axis_index("c")
        s = lax.axis_index("s")
        w = c * NS + s
        pltpu.sync_copy(didx_hbm.at[w], idx_v)
        zv = jnp.zeros((LN,), jnp.float32)

        @pl.loop(0, CHW)
        def _(r):
            @pl.loop(0, DW, step=LN)
            def _(k):
                ones_v[r, pl.ds(k, LN)] = zv

        @pl.loop(0, slc // CHW)
        def _(k):
            pltpu.sync_copy(ones_v, hist_sh.at[pl.ds(s * slc + k * CHW, CHW)])

        lane = lax.iota(jnp.int32, LN)
        e1 = jnp.where(lane == 0, 1.0, 0.0).astype(jnp.float32)

        @pl.loop(0, CHW)
        def _(r):
            ones_v[r, pl.ds(0, LN)] = e1

        plsc.subcore_barrier()

        @pl.loop(0, num_chunks)
        def _(j):
            pltpu.sync_copy(ones_v, hist_sh.at[idx_v.at[j]], add=True)

        plsc.subcore_barrier()
        pltpu.sync_copy(
            hist_sh.at[pl.ds(s * slc, slc)],
            out_hbm.at[pl.ds(c * np_ + s * slc, slc)],
        )

    return deg_kernel


WIN = 16
CW = 128


def _sc_scatter(num_chunks: int, np_: int, dh: int):
    slc = np_ // NS
    grp = num_chunks // WIN
    mesh = plsc.VectorSubcoreMesh(core_axis_name="c", subcore_axis_name="s")

    @functools.partial(
        pl.kernel,
        out_type=jax.ShapeDtypeStruct((NC * np_, dh), jnp.float32),
        mesh=mesh,
        scratch_types=[
            pltpu.VMEM((WIN, CW), jnp.int32),
            pltpu.VMEM((WIN, CW), jnp.int32),
            [pltpu.VMEM((CW, dh), jnp.float32) for _ in range(2)],
            [pltpu.SemaphoreType.DMA for _ in range(4)],
            pltpu.VMEM_SHARED((np_, dh), jnp.float32),
        ],
    )
    def scat_kernel(hs_hbm, sidx_hbm, didx_hbm, out_hbm,
                    si_v, di_v, bufs, sems, acc_sh):
        c = lax.axis_index("c")
        s = lax.axis_index("s")
        w = c * NS + s
        sg = sems[:2]
        ss = sems[2:]
        zv = jnp.zeros((LN,), jnp.float32)

        @pl.loop(0, CW)
        def _(r):
            @pl.loop(0, dh, step=LN)
            def _(k):
                bufs[0][r, pl.ds(k, LN)] = zv

        @pl.loop(0, slc // CW)
        def _(k):
            pltpu.sync_copy(bufs[0], acc_sh.at[pl.ds(s * slc + k * CW, CW)])

        plsc.subcore_barrier()

        def gather(j, i):
            pltpu.async_copy(hs_hbm.at[si_v.at[j]], bufs[i], sg[i])

        def gather_wait(j, i):
            pltpu.make_async_copy(hs_hbm.at[si_v.at[j]], bufs[i],
                                  sg[i]).wait()

        def scat(j, i):
            pltpu.async_copy(bufs[i], acc_sh.at[di_v.at[j]], ss[i], add=True)

        def scat_wait(j, i):
            pltpu.make_async_copy(bufs[i], acc_sh.at[di_v.at[j]],
                                  ss[i]).wait()

        @pl.loop(0, grp)
        def _(g):
            pltpu.sync_copy(sidx_hbm.at[w * grp + g], si_v)
            pltpu.sync_copy(didx_hbm.at[s * grp + g], di_v)
            gather(0, 0)

            @pl.loop(0, WIN, step=2)
            def _(j):
                @pl.when(j > 0)
                def _():
                    scat_wait(j - 1, 1)

                gather(j + 1, 1)
                gather_wait(j, 0)
                scat(j, 0)

                @pl.when(j + 2 < WIN)
                def _():
                    scat_wait(j, 0)
                    gather(j + 2, 0)

                gather_wait(j + 1, 1)
                scat(j + 1, 1)

            scat_wait(WIN - 2, 0)
            scat_wait(WIN - 1, 1)

        plsc.subcore_barrier()
        pltpu.sync_copy(
            acc_sh.at[pl.ds(s * slc, slc)],
            out_hbm.at[pl.ds(c * np_ + s * slc, slc)],
        )

    return scat_kernel


def _tc_matmul(np_: int, blk: int, din: int, dh: int):
    nb = np_ // blk

    def body(x_ref, w_ref, da_ref, db_ref, o_ref):
        deg = da_ref[:, 0] + db_ref[:, 0] + 1.0
        dinv = lax.rsqrt(deg)
        xs = x_ref[...] * dinv[:, None]
        o_ref[...] = jnp.dot(xs, w_ref[...],
                             preferred_element_type=jnp.float32)

    return pl.pallas_call(
        body,
        grid=(nb, 2),
        in_specs=[
            pl.BlockSpec((blk, din), lambda i, j: (i, 0)),
            pl.BlockSpec((din, dh), lambda i, j: (0, j)),
            pl.BlockSpec((blk, DW), lambda i, j: (i, 0)),
            pl.BlockSpec((blk, DW), lambda i, j: (nb + i, 0)),
        ],
        out_specs=pl.BlockSpec((blk, dh), lambda i, j: (j * nb + i, 0)),
        out_shape=jax.ShapeDtypeStruct((NC * np_, dh), jnp.float32),
    )


def _tc_final(np_: int, blk: int, dh: int):
    nb = np_ // blk

    def body(aa_ref, ab_ref, ha_ref, hb_ref, da_ref, db_ref, b_ref, o_ref):
        deg = da_ref[:, 0] + db_ref[:, 0] + 1.0
        dinv = lax.rsqrt(deg)[:, None]
        left = dinv * (aa_ref[...] + ha_ref[...])
        right = dinv * (ab_ref[...] + hb_ref[...])
        o_ref[...] = jnp.maximum(
            jnp.concatenate([left, right], axis=1) + b_ref[...], 0.0)

    return pl.pallas_call(
        body,
        grid=(nb,),
        in_specs=[
            pl.BlockSpec((blk, dh), lambda i: (i, 0)),
            pl.BlockSpec((blk, dh), lambda i: (nb + i, 0)),
            pl.BlockSpec((blk, dh), lambda i: (i, 0)),
            pl.BlockSpec((blk, dh), lambda i: (nb + i, 0)),
            pl.BlockSpec((blk, DW), lambda i: (i, 0)),
            pl.BlockSpec((blk, DW), lambda i: (nb + i, 0)),
            pl.BlockSpec((1, 2 * dh), lambda i: (0, 0)),
        ],
        out_specs=pl.BlockSpec((blk, 2 * dh), lambda i: (i, 0)),
        out_shape=jax.ShapeDtypeStruct((np_, 2 * dh), jnp.float32),
    )


def kernel(x, spatial_edge_index, W, b):
    n, din = x.shape
    dout = W.shape[1]
    dh = dout // 2
    e = spatial_edge_index.shape[1]

    blk = 1024
    tile_q = NS * CW * WIN
    np_ = ((n + 1 + 2047) // 2048) * 2048
    np_ = ((np_ + blk - 1) // blk) * blk
    ep = ((e + tile_q - 1) // tile_q) * tile_q

    src = spatial_edge_index[0].astype(jnp.int32)
    dst = spatial_edge_index[1].astype(jnp.int32)
    pad = ep - e
    srcp = jnp.concatenate([src, jnp.full((pad,), n, jnp.int32)])
    dstp = jnp.concatenate([dst, jnp.full((pad,), n, jnp.int32)])

    ch_m = ep // (NS * CW)
    ch_d = ep // (NC * NS * CHW)
    grp = ch_m // WIN

    src_by_s = srcp.reshape(NS, ch_m, CW)
    src_arr = jnp.concatenate([src_by_s, src_by_s + np_],
                              axis=0).reshape(NC * NS * grp, WIN, CW)
    dst_arr = dstp.reshape(NS * grp, WIN, CW)
    deg_idx = dstp.reshape(NC * NS, ch_d, CHW)

    x_pad = jnp.concatenate(
        [x, jnp.zeros((np_ - n, din), x.dtype)], axis=0)

    deg01 = _sc_degree(ch_d, np_)(deg_idx)
    hs = _tc_matmul(np_, blk, din, dh)(x_pad, W, deg01, deg01)
    acc = _sc_scatter(ch_m, np_, dh)(hs, src_arr, dst_arr)
    out_p = _tc_final(np_, blk, dh)(acc, acc, hs, hs, deg01, deg01,
                                    b.reshape(1, dout))
    return out_p[:n]

# --- scband reference (transcript-rebuilt; emitter-appended) ---
"""Pipeline reference for scband-decoder-32401233281586 (READ-ONLY COPY).

The authoritative reference and input builder live on the scoring server;
editing this copy changes nothing except your own understanding.
"""

import jax, jax.numpy as jnp
import numpy as np

N = 10000
E = 160000
D_IN = 256
D_OUT = 256


def setup_inputs(seed: int = 0) -> dict:
    key = jax.random.key(seed)
    k1, k2, k3 = jax.random.split(key, 3)
    x = jax.random.normal(k1, (N, D_IN), dtype=jnp.float32)
    spatial_edge_index = jax.random.randint(k2, (2, E), 0, N, dtype=jnp.int32)
    # GCNConv learned parameters (glorot-style init for weight, zeros for bias)
    W = jax.random.normal(k3, (D_IN, D_OUT), dtype=jnp.float32) * (1.0 / np.sqrt(D_IN))
    b = jnp.zeros((D_OUT,), dtype=jnp.float32)
    return {"x": x, "spatial_edge_index": spatial_edge_index, "W": W, "b": b}


def reference(x, spatial_edge_index, W, b):
    # Faithful GCNConv (torch_geometric semantics):
    #   add self-loops, symmetric normalization D^{-1/2} (A+I) D^{-1/2} X W + b,
    # followed by ReLU as in decoder.forward.
    n = x.shape[0]
    self_loops = jnp.arange(n, dtype=spatial_edge_index.dtype)
    src = jnp.concatenate([spatial_edge_index[0], self_loops])
    dst = jnp.concatenate([spatial_edge_index[1], self_loops])
    # linear transform first (PyG applies lin before propagate)
    h = x @ W
    # degree computed on dst with unit edge weights (including self loops)
    deg = jnp.zeros((n,), dtype=x.dtype).at[dst].add(1.0)
    deg_inv_sqrt = jnp.where(deg > 0, 1.0 / jnp.sqrt(deg), 0.0)
    norm = deg_inv_sqrt[src] * deg_inv_sqrt[dst]
    # gather messages from src, scale, scatter-add into dst
    msg = h[src] * norm[:, None]
    out = jnp.zeros((n, h.shape[1]), dtype=x.dtype).at[dst].add(msg)
    out = out + b
    return jax.nn.relu(out)

if __name__ == "__main__":
    import jax
    _d = setup_inputs()
    print(jax.jit(kernel)(*tuple(_d.values())))

</pallas_src>

<mosaic_0001>
#map = affine_map<(d0, d1) -> (0, 0)>
#map1 = affine_map<(d0, d1) -> (0, 0, 0)>
module attributes {stable_mosaic.version = 14 : i64} {
  func.func @scat_kernel(%arg0: i32, %arg1: i32, %arg2: memref<20480x128xf32, #tpu.memory_space<hbm>>, %arg3: memref<160x16x128xi32, #tpu.memory_space<hbm>>, %arg4: memref<80x16x128xi32, #tpu.memory_space<hbm>>, %arg5: memref<20480x128xf32, #tpu.memory_space<hbm>>, %arg6: memref<16x128xi32, #tpu.memory_space<vmem>>, %arg7: memref<16x128xi32, #tpu.memory_space<vmem>>, %arg8: memref<128x128xf32, #tpu.memory_space<vmem>>, %arg9: memref<128x128xf32, #tpu.memory_space<vmem>>, %arg10: memref<!tpu.dma_semaphore, #tpu.memory_space<semaphore_mem>>, %arg11: memref<!tpu.dma_semaphore, #tpu.memory_space<semaphore_mem>>, %arg12: memref<!tpu.dma_semaphore, #tpu.memory_space<semaphore_mem>>, %arg13: memref<!tpu.dma_semaphore, #tpu.memory_space<semaphore_mem>>, %arg14: memref<10240x128xf32, #tpu.memory_space<vmem_shared>>) attributes {dimension_semantics = [#tpu.dimension_semantics<core_parallel>, #tpu.dimension_semantics<subcore_parallel>], iteration_bounds = array<i64: 2, 16>, scalar_prefetch = 0 : i64, scratch_operands = 9 : i64, tpu.core_type = #tpu.core_type<sc_vector_subcore>, window_params = [{transform_indices = #map}, {transform_indices = #map1}, {transform_indices = #map1}, {transform_indices = #map}]} {
    %mul3A = arith.constant 16 : i32
    %mul3A_0 = arith.muli %arg0, %mul3A : i32
    %add3A = arith.addi %mul3A_0, %arg1 : i32
    %broadcast_in_dim3A = arith.constant 0.000000e+00 : f32
    %broadcast_in_dim3A_1 = vector.broadcast %broadcast_in_dim3A : f32 to vector<16xf32>
    %scan3A = arith.constant 0 : i32
    %scan3A_2 = arith.constant 128 : i32
    %scan3A_3 = arith.addi %scan3A, %scan3A_2 : i32
    %scan3A_4 = arith.constant 1 : i32
    scf.for %scan3A_24 = %scan3A to %scan3A_3 step %scan3A_4  : i32 {
      %mul3A_25 = arith.constant 1 : i32
      %mul3A_26 = arith.muli %scan3A_24, %mul3A_25 : i32
      %add3A_27 = arith.constant 0 : i32
      %add3A_28 = arith.addi %add3A_27, %mul3A_26 : i32
      %scan3A_29 = arith.constant 0 : i32
      %scan3A_30 = arith.constant 8 : i32
      %scan3A_31 = arith.addi %scan3A_29, %scan3A_30 : i32
      %scan3A_32 = arith.constant 1 : i32
      scf.for %scan3A_34 = %scan3A_29 to %scan3A_31 step %scan3A_32  : i32 {
        %mul3A_35 = arith.constant 16 : i32
        %mul3A_36 = arith.muli %scan3A_34, %mul3A_35 : i32
        %add3A_37 = arith.constant 0 : i32
        %add3A_38 = arith.addi %add3A_37, %mul3A_36 : i32
        %swap3A = arith.index_cast %add3A_28 : i32 to index
        %swap3A_39 = arith.index_cast %add3A_38 : i32 to index
        %swap3A_40 = tpu.vector_load %arg8[%swap3A, %swap3A_39] {strides = array<i32>} : memref<128x128xf32, #tpu.memory_space<vmem>>, vector<1x16xf32>,
        %swap3A_41 = vector.shape_cast %swap3A_40 : vector<1x16xf32> to vector<16xf32>
        %swap3A_42 = vector.shape_cast %broadcast_in_dim3A_1 : vector<16xf32> to vector<1x16xf32>
        tpu.vector_store %arg8[%swap3A, %swap3A_39], %swap3A_42 {strides = array<i32>} : memref<128x128xf32, #tpu.memory_space<vmem>>, vector<1x16xf32>,
      }
      %scan3A_33 = arith.constant 8 : i32
    }
    %scan3A_5 = arith.constant 128 : i32
    %scan3A_6 = arith.constant 0 : i32
    %scan3A_7 = arith.constant 5 : i32
    %scan3A_8 = arith.addi %scan3A_6, %scan3A_7 : i32
    %scan3A_9 = arith.constant 1 : i32
    scf.for %scan3A_24 = %scan3A_6 to %scan3A_8 step %scan3A_9  : i32 {
      %mul3A_25 = arith.constant 1 : i32
      %mul3A_26 = arith.muli %scan3A_24, %mul3A_25 : i32
      %add3A_27 = arith.constant 0 : i32
      %add3A_28 = arith.addi %add3A_27, %mul3A_26 : i32
      %mul3A_29 = arith.constant 640 : i32
      %mul3A_30 = arith.muli %arg1, %mul3A_29 : i32
      %mul3A_31 = arith.constant 128 : i32
      %mul3A_32 = arith.muli %add3A_28, %mul3A_31 : i32
      %add3A_33 = arith.addi %mul3A_30, %mul3A_32 : i32
      "tpu.region"() ({
        %run_scoped3A = tpu.sem_alloc : memref<!tpu.dma_semaphore, #tpu.memory_space<semaphore_mem>>
        %dma_start3A = arith.constant 0 : i32
        %dma_start3A_34 = tpu.memref_slice %arg14[%add3A_33, %dma_start3A] : memref<10240x128xf32, #tpu.memory_space<vmem_shared>> -> memref<128x128xf32, #tpu.memory_space<vmem_shared>>
        %dma_start3A_35 = arith.constant 0 : i32
        %dma_start3A_36 = tpu.memref_slice %arg14[%add3A_33, %dma_start3A_35] : memref<10240x128xf32, #tpu.memory_space<vmem_shared>> -> memref<128x128xf32, #tpu.memory_space<vmem_shared>>
        tpu.enqueue_dma source(%arg8 : memref<128x128xf32, #tpu.memory_space<vmem>>) target(%dma_start3A_36 : memref<128x128xf32, #tpu.memory_space<vmem_shared>>) target_semaphore(%run_scoped3A : memref<!tpu.dma_semaphore, #tpu.memory_space<semaphore_mem>>)
        %dma_wait3A = arith.constant 0 : i32
        %dma_wait3A_37 = tpu.memref_slice %arg14[%add3A_33, %dma_wait3A] : memref<10240x128xf32, #tpu.memory_space<vmem_shared>> -> memref<128x128xf32, #tpu.memory_space<vmem_shared>>
        %dma_wait3A_38 = arith.constant 0 : i32
        %dma_wait3A_39 = tpu.memref_slice %arg14[%add3A_33, %dma_wait3A_38] : memref<10240x128xf32, #tpu.memory_space<vmem_shared>> -> memref<128x128xf32, #tpu.memory_space<vmem_shared>>
        tpu.wait_dma2 semaphore(%run_scoped3A : memref<!tpu.dma_semaphore, #tpu.memory_space<semaphore_mem>>) src(%arg8 : memref<128x128xf32, #tpu.memory_space<vmem>>) dst(%dma_wait3A_39 : memref<128x128xf32, #tpu.memory_space<vmem_shared>>)
        tpu.yield
      }) : () -> ()
    }
    %scan3A_10 = arith.constant 5 : i32
    %barrier3A = arith.constant 0 : index
    tpu.barrier barrier_id(%barrier3A)
    %scan3A_11 = arith.constant 0 : i32
    %scan3A_12 = arith.constant 5 : i32
    %scan3A_13 = arith.addi %scan3A_11, %scan3A_12 : i32
    %scan3A_14 = arith.constant 1 : i32
    scf.for %scan3A_24 = %scan3A_11 to %scan3A_13 step %scan3A_14  : i32 {
      %mul3A_25 = arith.constant 1 : i32
      %mul3A_26 = arith.muli %scan3A_24, %mul3A_25 : i32
      %add3A_27 = arith.constant 0 : i32
      %add3A_28 = arith.addi %add3A_27, %mul3A_26 : i32
      %mul3A_29 = arith.constant 5 : i32
      %mul3A_30 = arith.muli %add3A, %mul3A_29 : i32
      %add3A_31 = arith.addi %mul3A_30, %add3A_28 : i32
      "tpu.region"() ({
        %run_scoped3A = tpu.sem_alloc : memref<!tpu.dma_semaphore, #tpu.memory_space<semaphore_mem>>
        %dma_start3A_59 = arith.constant 0 : i32
        %dma_start3A_60 = arith.constant 0 : i32
        %dma_start3A_61 = tpu.memref_slice %arg3[%add3A_31, %dma_start3A_59, %dma_start3A_60] : memref<160x16x128xi32, #tpu.memory_space<hbm>> -> memref<1x16x128xi32, #tpu.memory_space<hbm>>
        %dma_start3A_62 = tpu.memref_squeeze %dma_start3A_61 : memref<1x16x128xi32, #tpu.memory_space<hbm>> -> memref<16x128xi32, #tpu.memory_space<hbm>>
        %dma_start3A_63 = arith.constant 0 : i32
        %dma_start3A_64 = arith.constant 0 : i32
        %dma_start3A_65 = tpu.memref_slice %arg3[%add3A_31, %dma_start3A_63, %dma_start3A_64] : memref<160x16x128xi32, #tpu.memory_space<hbm>> -> memref<1x16x128xi32, #tpu.memory_space<hbm>>
        %dma_start3A_66 = tpu.memref_squeeze %dma_start3A_65 : memref<1x16x128xi32, #tpu.memory_space<hbm>> -> memref<16x128xi32, #tpu.memory_space<hbm>>
        tpu.enqueue_dma source(%dma_start3A_66 : memref<16x128xi32, #tpu.memory_space<hbm>>) target(%arg6 : memref<16x128xi32, #tpu.memory_space<vmem>>) target_semaphore(%run_scoped3A : memref<!tpu.dma_semaphore, #tpu.memory_space<semaphore_mem>>)
        %dma_wait3A_67 = arith.constant 0 : i32
        %dma_wait3A_68 = arith.constant 0 : i32
        %dma_wait3A_69 = tpu.memref_slice %arg3[%add3A_31, %dma_wait3A_67, %dma_wait3A_68] : memref<160x16x128xi32, #tpu.memory_space<hbm>> -> memref<1x16x128xi32, #tpu.memory_space<hbm>>
        %dma_wait3A_70 = tpu.memref_squeeze %dma_wait3A_69 : memref<1x16x128xi32, #tpu.memory_space<hbm>> -> memref<16x128xi32, #tpu.memory_space<hbm>>
        %dma_wait3A_71 = arith.constant 0 : i32
        %dma_wait3A_72 = arith.constant 0 : i32
        %dma_wait3A_73 = tpu.memref_slice %arg3[%add3A_31, %dma_wait3A_71, %dma_wait3A_72] : memref<160x16x128xi32, #tpu.memory_space<hbm>> -> memref<1x16x128xi32, #tpu.memory_space<hbm>>
        %dma_wait3A_74 = tpu.memref_squeeze %dma_wait3A_73 : memref<1x16x128xi32, #tpu.memory_space<hbm>> -> memref<16x128xi32, #tpu.memory_space<hbm>>
        tpu.wait_dma2 semaphore(%run_scoped3A : memref<!tpu.dma_semaphore, #tpu.memory_space<semaphore_mem>>) src(%dma_wait3A_74 : memref<16x128xi32, #tpu.memory_space<hbm>>) dst(%arg6 : memref<16x128xi32, #tpu.memory_space<vmem>>)
        tpu.yield
      }) : () -> ()
      %mul3A_32 = arith.constant 5 : i32
      %mul3A_33 = arith.muli %arg1, %mul3A_32 : i32
      %add3A_34 = arith.addi %mul3A_33, %add3A_28 : i32
      "tpu.region"() ({
        %run_scoped3A = tpu.sem_alloc : memref<!tpu.dma_semaphore, #tpu.memory_space<semaphore_mem>>
        %dma_start3A_59 = arith.constant 0 : i32
        %dma_start3A_60 = arith.constant 0 : i32
        %dma_start3A_61 = tpu.memref_slice %arg4[%add3A_34, %dma_start3A_59, %dma_start3A_60] : memref<80x16x128xi32, #tpu.memory_space<hbm>> -> memref<1x16x128xi32, #tpu.memory_space<hbm>>
        %dma_start3A_62 = tpu.memref_squeeze %dma_start3A_61 : memref<1x16x128xi32, #tpu.memory_space<hbm>> -> memref<16x128xi32, #tpu.memory_space<hbm>>
        %dma_start3A_63 = arith.constant 0 : i32
        %dma_start3A_64 = arith.constant 0 : i32
        %dma_start3A_65 = tpu.memref_slice %arg4[%add3A_34, %dma_start3A_63, %dma_start3A_64] : memref<80x16x128xi32, #tpu.memory_space<hbm>> -> memref<1x16x128xi32, #tpu.memory_space<hbm>>
        %dma_start3A_66 = tpu.memref_squeeze %dma_start3A_65 : memref<1x16x128xi32, #tpu.memory_space<hbm>> -> memref<16x128xi32, #tpu.memory_space<hbm>>
        tpu.enqueue_dma source(%dma_start3A_66 : memref<16x128xi32, #tpu.memory_space<hbm>>) target(%arg7 : memref<16x128xi32, #tpu.memory_space<vmem>>) target_semaphore(%run_scoped3A : memref<!tpu.dma_semaphore, #tpu.memory_space<semaphore_mem>>)
        %dma_wait3A_67 = arith.constant 0 : i32
        %dma_wait3A_68 = arith.constant 0 : i32
        %dma_wait3A_69 = tpu.memref_slice %arg4[%add3A_34, %dma_wait3A_67, %dma_wait3A_68] : memref<80x16x128xi32, #tpu.memory_space<hbm>> -> memref<1x16x128xi32, #tpu.memory_space<hbm>>
        %dma_wait3A_70 = tpu.memref_squeeze %dma_wait3A_69 : memref<1x16x128xi32, #tpu.memory_space<hbm>> -> memref<16x128xi32, #tpu.memory_space<hbm>>
        %dma_wait3A_71 = arith.constant 0 : i32
        %dma_wait3A_72 = arith.constant 0 : i32
        %dma_wait3A_73 = tpu.memref_slice %arg4[%add3A_34, %dma_wait3A_71, %dma_wait3A_72] : memref<80x16x128xi32, #tpu.memory_space<hbm>> -> memref<1x16x128xi32, #tpu.memory_space<hbm>>
        %dma_wait3A_74 = tpu.memref_squeeze %dma_wait3A_73 : memref<1x16x128xi32, #tpu.memory_space<hbm>> -> memref<16x128xi32, #tpu.memory_space<hbm>>
        tpu.wait_dma2 semaphore(%run_scoped3A : memref<!tpu.dma_semaphore, #tpu.memory_space<semaphore_mem>>) src(%dma_wait3A_74 : memref<16x128xi32, #tpu.memory_space<hbm>>) dst(%arg7 : memref<16x128xi32, #tpu.memory_space<vmem>>)
        tpu.yield
      }) : () -> ()
      %dma_start3A = arith.constant 0 : i32
      %dma_start3A_35 = arith.constant 0 : i32
      %dma_start3A_36 = tpu.memref_slice %arg6[%dma_start3A, %dma_start3A_35] : memref<16x128xi32, #tpu.memory_space<vmem>> -> memref<1x128xi32, #tpu.memory_space<vmem>>
      %dma_start3A_37 = tpu.memref_squeeze %dma_start3A_36 : memref<1x128xi32, #tpu.memory_space<vmem>> -> memref<128xi32, #tpu.memory_space<vmem>>
      %dma_start3A_38 = arith.constant 0 : i32
      %dma_start3A_39 = arith.constant 0 : i32
      %dma_start3A_40 = tpu.memref_slice %arg2[%dma_start3A_38, %dma_start3A_39] : memref<20480x128xf32, #tpu.memory_space<hbm>> -> memref<20480x128xf32, #tpu.memory_space<hbm>>
      tpu.enqueue_indirect_dma source(%dma_start3A_40 : memref<20480x128xf32, #tpu.memory_space<hbm>>) target(%arg8 : memref<128x128xf32, #tpu.memory_space<vmem>>) offsets(%dma_start3A_37 : memref<128xi32, #tpu.memory_space<vmem>>) semaphore(%arg10 : memref<!tpu.dma_semaphore, #tpu.memory_space<semaphore_mem>>)
      %scan3A_41 = arith.constant 0 : i32
      %scan3A_42 = arith.constant 8 : i32
      %scan3A_43 = arith.addi %scan3A_41, %scan3A_42 : i32
      %scan3A_44 = arith.constant 1 : i32
      scf.for %scan3A_59 = %scan3A_41 to %scan3A_43 step %scan3A_44  : i32 {
        %mul3A_60 = arith.constant 2 : i32
        %mul3A_61 = arith.muli %scan3A_59, %mul3A_60 : i32
        %add3A_62 = arith.constant 0 : i32
        %add3A_63 = arith.addi %add3A_62, %mul3A_61 : i32
        %gt3A = arith.constant 0 : i32
        %gt3A_64 = arith.cmpi sgt, %add3A_63, %gt3A : i32
        %convert_element_type3A = arith.extui %gt3A_64 : i1 to i32
        %cond3A = arith.constant 0 : i32
        %cond3A_65 = arith.cmpi ne, %convert_element_type3A, %cond3A : i32
        scf.if %cond3A_65 {
          %sub3A = arith.constant 1 : i32
          %sub3A_108 = arith.subi %add3A_63, %sub3A : i32
          %dma_wait3A_109 = arith.constant 0 : i32
          %dma_wait3A_110 = tpu.memref_slice %arg7[%sub3A_108, %dma_wait3A_109] : memref<16x128xi32, #tpu.memory_space<vmem>> -> memref<1x128xi32, #tpu.memory_space<vmem>>
          %dma_wait3A_111 = tpu.memref_squeeze %dma_wait3A_110 : memref<1x128xi32, #tpu.memory_space<vmem>> -> memref<128xi32, #tpu.memory_space<vmem>>
          %dma_wait3A_112 = arith.constant 0 : i32
          %dma_wait3A_113 = arith.constant 0 : i32
          %dma_wait3A_114 = tpu.memref_slice %arg14[%dma_wait3A_112, %dma_wait3A_113] : memref<10240x128xf32, #tpu.memory_space<vmem_shared>> -> memref<10240x128xf32, #tpu.memory_space<vmem_shared>>
          tpu.wait_indirect_dma semaphore(%arg13 : memref<!tpu.dma_semaphore, #tpu.memory_space<semaphore_mem>>) src(%arg9 : memref<128x128xf32, #tpu.memory_space<vmem>>) dst(%dma_wait3A_114 : memref<10240x128xf32, #tpu.memory_space<vmem_shared>>)
        } else {
        }
        %add3A_66 = arith.constant 1 : i32
        %add3A_67 = arith.addi %add3A_63, %add3A_66 : i32
        %dma_start3A_68 = arith.constant 0 : i32
        %dma_start3A_69 = tpu.memref_slice %arg6[%add3A_67, %dma_start3A_68] : memref<16x128xi32, #tpu.memory_space<vmem>> -> memref<1x128xi32, #tpu.memory_space<vmem>>
        %dma_start3A_70 = tpu.memref_squeeze %dma_start3A_69 : memref<1x128xi32, #tpu.memory_space<vmem>> -> memref<128xi32, #tpu.memory_space<vmem>>
        %dma_start3A_71 = arith.constant 0 : i32
        %dma_start3A_72 = arith.constant 0 : i32
        %dma_start3A_73 = tpu.memref_slice %arg2[%dma_start3A_71, %dma_start3A_72] : memref<20480x128xf32, #tpu.memory_space<hbm>> -> memref<20480x128xf32, #tpu.memory_space<hbm>>
        tpu.enqueue_indirect_dma source(%dma_start3A_73 : memref<20480x128xf32, #tpu.memory_space<hbm>>) target(%arg9 : memref<128x128xf32, #tpu.memory_space<vmem>>) offsets(%dma_start3A_70 : memref<128xi32, #tpu.memory_space<vmem>>) semaphore(%arg11 : memref<!tpu.dma_semaphore, #tpu.memory_space<semaphore_mem>>)
        %dma_wait3A_74 = arith.constant 0 : i32
        %dma_wait3A_75 = tpu.memref_slice %arg6[%add3A_63, %dma_wait3A_74] : memref<16x128xi32, #tpu.memory_space<vmem>> -> memref<1x128xi32, #tpu.memory_space<vmem>>
        %dma_wait3A_76 = tpu.memref_squeeze %dma_wait3A_75 : memref<1x128xi32, #tpu.memory_space<vmem>> -> memref<128xi32, #tpu.memory_space<vmem>>
        %dma_wait3A_77 = arith.constant 0 : i32
        %dma_wait3A_78 = arith.constant 0 : i32
        %dma_wait3A_79 = tpu.memref_slice %arg2[%dma_wait3A_77, %dma_wait3A_78] : memref<20480x128xf32, #tpu.memory_space<hbm>> -> memref<20480x128xf32, #tpu.memory_space<hbm>>
        tpu.wait_indirect_dma semaphore(%arg10 : memref<!tpu.dma_semaphore, #tpu.memory_space<semaphore_mem>>) src(%dma_wait3A_79 : memref<20480x128xf32, #tpu.memory_space<hbm>>) dst(%arg8 : memref<128x128xf32, #tpu.memory_space<vmem>>)
        %dma_start3A_80 = arith.constant 0 : i32
        %dma_start3A_81 = tpu.memref_slice %arg7[%add3A_63, %dma_start3A_80] : memref<16x128xi32, #tpu.memory_space<vmem>> -> memref<1x128xi32, #tpu.memory_space<vmem>>
        %dma_start3A_82 = tpu.memref_squeeze %dma_start3A_81 : memref<1x128xi32, #tpu.memory_space<vmem>> -> memref<128xi32, #tpu.memory_space<vmem>>
        %dma_start3A_83 = arith.constant 0 : i32
        %dma_start3A_84 = arith.constant 0 : i32
        %dma_start3A_85 = tpu.memref_slice %arg14[%dma_start3A_83, %dma_start3A_84] : memref<10240x128xf32, #tpu.memory_space<vmem_shared>> -> memref<10240x128xf32, #tpu.memory_space<vmem_shared>>
        tpu.enqueue_indirect_dma source(%arg8 : memref<128x128xf32, #tpu.memory_space<vmem>>) target(%dma_start3A_85 : memref<10240x128xf32, #tpu.memory_space<vmem_shared>>) offsets(%dma_start3A_82 : memref<128xi32, #tpu.memory_space<vmem>>) semaphore(%arg12 : memref<!tpu.dma_semaphore, #tpu.memory_space<semaphore_mem>>) {add = true}
        %add3A_86 = arith.constant 2 : i32
        %add3A_87 = arith.addi %add3A_63, %add3A_86 : i32
        %lt3A = arith.constant 16 : i32
        %lt3A_88 = arith.cmpi slt, %add3A_87, %lt3A : i32
        %convert_element_type3A_89 = arith.extui %lt3A_88 : i1 to i32
        %cond3A_90 = arith.constant 0 : i32
        %cond3A_91 = arith.cmpi ne, %convert_element_type3A_89, %cond3A_90 : i32
        scf.if %cond3A_91 {
          %dma_wait3A_108 = arith.constant 0 : i32
          %dma_wait3A_109 = tpu.memref_slice %arg7[%add3A_63, %dma_wait3A_108] : memref<16x128xi32, #tpu.memory_space<vmem>> -> memref<1x128xi32, #tpu.memory_space<vmem>>
          %dma_wait3A_110 = tpu.memref_squeeze %dma_wait3A_109 : memref<1x128xi32, #tpu.memory_space<vmem>> -> memref<128xi32, #tpu.memory_space<vmem>>
          %dma_wait3A_111 = arith.constant 0 : i32
          %dma_wait3A_112 = arith.constant 0 : i32
          %dma_wait3A_113 = tpu.memref_slice %arg14[%dma_wait3A_111, %dma_wait3A_112] : memref<10240x128xf32, #tpu.memory_space<vmem_shared>> -> memref<10240x128xf32, #tpu.memory_space<vmem_shared>>
          tpu.wait_indirect_dma semaphore(%arg12 : memref<!tpu.dma_semaphore, #tpu.memory_space<semaphore_mem>>) src(%arg8 : memref<128x128xf32, #tpu.memory_space<vmem>>) dst(%dma_wait3A_113 : memref<10240x128xf32, #tpu.memory_space<vmem_shared>>)
          %add3A_114 = arith.constant 2 : i32
          %add3A_115 = arith.addi %add3A_63, %add3A_114 : i32
          %dma_start3A_116 = arith.constant 0 : i32
          %dma_start3A_117 = tpu.memref_slice %arg6[%add3A_115, %dma_start3A_116] : memref<16x128xi32, #tpu.memory_space<vmem>> -> memref<1x128xi32, #tpu.memory_space<vmem>>
          %dma_start3A_118 = tpu.memref_squeeze %dma_start3A_117 : memref<1x128xi32, #tpu.memory_space<vmem>> -> memref<128xi32, #tpu.memory_space<vmem>>
          %dma_start3A_119 = arith.constant 0 : i32
          %dma_start3A_120 = arith.constant 0 : i32
          %dma_start3A_121 = tpu.memref_slice %arg2[%dma_start3A_119, %dma_start3A_120] : memref<20480x128xf32, #tpu.memory_space<hbm>> -> memref<20480x128xf32, #tpu.memory_space<hbm>>
          tpu.enqueue_indirect_dma source(%dma_start3A_121 : memref<20480x128xf32, #tpu.memory_space<hbm>>) target(%arg8 : memref<128x128xf32, #tpu.memory_space<vmem>>) offsets(%dma_start3A_118 : memref<128xi32, #tpu.memory_space<vmem>>) semaphore(%arg10 : memref<!tpu.dma_semaphore, #tpu.memory_space<semaphore_mem>>)
        } else {
        }
        %add3A_92 = arith.constant 1 : i32
        %add3A_93 = arith.addi %add3A_63, %add3A_92 : i32
        %dma_wait3A_94 = arith.constant 0 : i32
        %dma_wait3A_95 = tpu.memref_slice %arg6[%add3A_93, %dma_wait3A_94] : memref<16x128xi32, #tpu.memory_space<vmem>> -> memref<1x128xi32, #tpu.memory_space<vmem>>
        %dma_wait3A_96 = tpu.memref_squeeze %dma_wait3A_95 : memref<1x128xi32, #tpu.memory_space<vmem>> -> memref<128xi32, #tpu.memory_space<vmem>>
        %dma_wait3A_97 = arith.constant 0 : i32
        %dma_wait3A_98 = arith.constant 0 : i32
        %dma_wait3A_99 = tpu.memref_slice %arg2[%dma_wait3A_97, %dma_wait3A_98] : memref<20480x128xf32, #tpu.memory_space<hbm>> -> memref<20480x128xf32, #tpu.memory_space<hbm>>
        tpu.wait_indirect_dma semaphore(%arg11 : memref<!tpu.dma_semaphore, #tpu.memory_space<semaphore_mem>>) src(%dma_wait3A_99 : memref<20480x128xf32, #tpu.memory_space<hbm>>) dst(%arg9 : memref<128x128xf32, #tpu.memory_space<vmem>>)
        %add3A_100 = arith.constant 1 : i32
        %add3A_101 = arith.addi %add3A_63, %add3A_100 : i32
        %dma_start3A_102 = arith.constant 0 : i32
        %dma_start3A_103 = tpu.memref_slice %arg7[%add3A_101, %dma_start3A_102] : memref<16x128xi32, #tpu.memory_space<vmem>> -> memref<1x128xi32, #tpu.memory_space<vmem>>
        %dma_start3A_104 = tpu.memref_squeeze %dma_start3A_103 : memref<1x128xi32, #tpu.memory_space<vmem>> -> memref<128xi32, #tpu.memory_space<vmem>>
        %dma_start3A_105 = arith.constant 0 : i32
        %dma_start3A_106 = arith.constant 0 : i32
        %dma_start3A_107 = tpu.memref_slice %arg14[%dma_start3A_105, %dma_start3A_106] : memref<10240x128xf32, #tpu.memory_space<vmem_shared>> -> memref<10240x128xf32, #tpu.memory_space<vmem_shared>>
        tpu.enqueue_indirect_dma source(%arg9 : memref<128x128xf32, #tpu.memory_space<vmem>>) target(%dma_start3A_107 : memref<10240x128xf32, #tpu.memory_space<vmem_shared>>) offsets(%dma_start3A_104 : memref<128xi32, #tpu.memory_space<vmem>>) semaphore(%arg13 : memref<!tpu.dma_semaphore, #tpu.memory_space<semaphore_mem>>) {add = true}
      }
      %scan3A_45 = arith.constant 8 : i32
      %dma_wait3A = arith.constant 14 : i32
      %dma_wait3A_46 = arith.constant 0 : i32
      %dma_wait3A_47 = tpu.memref_slice %arg7[%dma_wait3A, %dma_wait3A_46] : memref<16x128xi32, #tpu.memory_space<vmem>> -> memref<1x128xi32, #tpu.memory_space<vmem>>
      %dma_wait3A_48 = tpu.memref_squeeze %dma_wait3A_47 : memref<1x128xi32, #tpu.memory_space<vmem>> -> memref<128xi32, #tpu.memory_space<vmem>>
      %dma_wait3A_49 = arith.constant 0 : i32
      %dma_wait3A_50 = arith.constant 0 : i32
      %dma_wait3A_51 = tpu.memref_slice %arg14[%dma_wait3A_49, %dma_wait3A_50] : memref<10240x128xf32, #tpu.memory_space<vmem_shared>> -> memref<10240x128xf32, #tpu.memory_space<vmem_shared>>
      tpu.wait_indirect_dma semaphore(%arg12 : memref<!tpu.dma_semaphore, #tpu.memory_space<semaphore_mem>>) src(%arg8 : memref<128x128xf32, #tpu.memory_space<vmem>>) dst(%dma_wait3A_51 : memref<10240x128xf32, #tpu.memory_space<vmem_shared>>)
      %dma_wait3A_52 = arith.constant 15 : i32
      %dma_wait3A_53 = arith.constant 0 : i32
      %dma_wait3A_54 = tpu.memref_slice %arg7[%dma_wait3A_52, %dma_wait3A_53] : memref<16x128xi32, #tpu.memory_space<vmem>> -> memref<1x128xi32, #tpu.memory_space<vmem>>
      %dma_wait3A_55 = tpu.memref_squeeze %dma_wait3A_54 : memref<1x128xi32, #tpu.memory_space<vmem>> -> memref<128xi32, #tpu.memory_space<vmem>>
      %dma_wait3A_56 = arith.constant 0 : i32
      %dma_wait3A_57 = arith.constant 0 : i32
      %dma_wait3A_58 = tpu.memref_slice %arg14[%dma_wait3A_56, %dma_wait3A_57] : memref<10240x128xf32, #tpu.memory_space<vmem_shared>> -> memref<10240x128xf32, #tpu.memory_space<vmem_shared>>
      tpu.wait_indirect_dma semaphore(%arg13 : memref<!tpu.dma_semaphore, #tpu.memory_space<semaphore_mem>>) src(%arg9 : memref<128x128xf32, #tpu.memory_space<vmem>>) dst(%dma_wait3A_58 : memref<10240x128xf32, #tpu.memory_space<vmem_shared>>)
    }
    %scan3A_15 = arith.constant 5 : i32
    %barrier3A_16 = arith.constant 0 : index
    tpu.barrier barrier_id(%barrier3A_16)
    %mul3A_17 = arith.constant 640 : i32
    %mul3A_18 = arith.muli %arg1, %mul3A_17 : i32
    %mul3A_19 = arith.constant 10240 : i32
    %mul3A_20 = arith.muli %arg0, %mul3A_19 : i32
    %mul3A_21 = arith.constant 640 : i32
    %mul3A_22 = arith.muli %arg1, %mul3A_21 : i32
    %add3A_23 = arith.addi %mul3A_20, %mul3A_22 : i32
    "tpu.region"() ({
      %run_scoped3A = tpu.sem_alloc : memref<!tpu.dma_semaphore, #tpu.memory_space<semaphore_mem>>
      %dma_start3A = arith.constant 0 : i32
      %dma_start3A_24 = tpu.memref_slice %arg5[%add3A_23, %dma_start3A] : memref<20480x128xf32, #tpu.memory_space<hbm>> -> memref<640x128xf32, #tpu.memory_space<hbm>>
      %dma_start3A_25 = arith.constant 0 : i32
      %dma_start3A_26 = tpu.memref_slice %arg14[%mul3A_18, %dma_start3A_25] : memref<10240x128xf32, #tpu.memory_space<vmem_shared>> -> memref<640x128xf32, #tpu.memory_space<vmem_shared>>
      tpu.enqueue_dma source(%dma_start3A_26 : memref<640x128xf32, #tpu.memory_space<vmem_shared>>) target(%dma_start3A_24 : memref<640x128xf32, #tpu.memory_space<hbm>>) target_semaphore(%run_scoped3A : memref<!tpu.dma_semaphore, #tpu.memory_space<semaphore_mem>>)
      %dma_wait3A = arith.constant 0 : i32
      %dma_wait3A_27 = tpu.memref_slice %arg5[%add3A_23, %dma_wait3A] : memref<20480x128xf32, #tpu.memory_space<hbm>> -> memref<640x128xf32, #tpu.memory_space<hbm>>
      %dma_wait3A_28 = arith.constant 0 : i32
      %dma_wait3A_29 = tpu.memref_slice %arg14[%mul3A_18, %dma_wait3A_28] : memref<10240x128xf32, #tpu.memory_space<vmem_shared>> -> memref<640x128xf32, #tpu.memory_space<vmem_shared>>
      tpu.wait_dma2 semaphore(%run_scoped3A : memref<!tpu.dma_semaphore, #tpu.memory_space<semaphore_mem>>) src(%dma_wait3A_29 : memref<640x128xf32, #tpu.memory_space<vmem_shared>>) dst(%dma_wait3A_27 : memref<640x128xf32, #tpu.memory_space<hbm>>)
      tpu.yield
    }) : () -> ()
    return
  }
}

#map = affine_map<(d0, d1) -> (0, 0, 0)>
#map1 = affine_map<(d0, d1) -> (0, 0)>
module attributes {stable_mosaic.version = 14 : i64} {
  func.func @deg_kernel(%arg0: i32, %arg1: i32, %arg2: memref<32x40x128xi32, #tpu.memory_space<hbm>>, %arg3: memref<20480x128xf32, #tpu.memory_space<hbm>>, %arg4: memref<40x128xi32, #tpu.memory_space<vmem>>, %arg5: memref<128x128xf32, #tpu.memory_space<vmem>>, %arg6: memref<10240x128xf32, #tpu.memory_space<vmem_shared>>) attributes {dimension_semantics = [#tpu.dimension_semantics<core_parallel>, #tpu.dimension_semantics<subcore_parallel>], iteration_bounds = array<i64: 2, 16>, scalar_prefetch = 0 : i64, scratch_operands = 3 : i64, tpu.core_type = #tpu.core_type<sc_vector_subcore>, window_params = [{transform_indices = #map}, {transform_indices = #map1}]} {
    %mul3A = arith.constant 16 : i32
    %mul3A_0 = arith.muli %arg0, %mul3A : i32
    %add3A = arith.addi %mul3A_0, %arg1 : i32
    "tpu.region"() ({
      %run_scoped3A = tpu.sem_alloc : memref<!tpu.dma_semaphore, #tpu.memory_space<semaphore_mem>>
      %dma_start3A = arith.constant 0 : i32
      %dma_start3A_34 = arith.constant 0 : i32
      %dma_start3A_35 = tpu.memref_slice %arg2[%add3A, %dma_start3A, %dma_start3A_34] : memref<32x40x128xi32, #tpu.memory_space<hbm>> -> memref<1x40x128xi32, #tpu.memory_space<hbm>>
      %dma_start3A_36 = tpu.memref_squeeze %dma_start3A_35 : memref<1x40x128xi32, #tpu.memory_space<hbm>> -> memref<40x128xi32, #tpu.memory_space<hbm>>
      %dma_start3A_37 = arith.constant 0 : i32
      %dma_start3A_38 = arith.constant 0 : i32
      %dma_start3A_39 = tpu.memref_slice %arg2[%add3A, %dma_start3A_37, %dma_start3A_38] : memref<32x40x128xi32, #tpu.memory_space<hbm>> -> memref<1x40x128xi32, #tpu.memory_space<hbm>>
      %dma_start3A_40 = tpu.memref_squeeze %dma_start3A_39 : memref<1x40x128xi32, #tpu.memory_space<hbm>> -> memref<40x128xi32, #tpu.memory_space<hbm>>
      tpu.enqueue_dma source(%dma_start3A_40 : memref<40x128xi32, #tpu.memory_space<hbm>>) target(%arg4 : memref<40x128xi32, #tpu.memory_space<vmem>>) target_semaphore(%run_scoped3A : memref<!tpu.dma_semaphore, #tpu.memory_space<semaphore_mem>>)
      %dma_wait3A = arith.constant 0 : i32
      %dma_wait3A_41 = arith.constant 0 : i32
      %dma_wait3A_42 = tpu.memref_slice %arg2[%add3A, %dma_wait3A, %dma_wait3A_41] : memref<32x40x128xi32, #tpu.memory_space<hbm>> -> memref<1x40x128xi32, #tpu.memory_space<hbm>>
      %dma_wait3A_43 = tpu.memref_squeeze %dma_wait3A_42 : memref<1x40x128xi32, #tpu.memory_space<hbm>> -> memref<40x128xi32, #tpu.memory_space<hbm>>
      %dma_wait3A_44 = arith.constant 0 : i32
      %dma_wait3A_45 = arith.constant 0 : i32
      %dma_wait3A_46 = tpu.memref_slice %arg2[%add3A, %dma_wait3A_44, %dma_wait3A_45] : memref<32x40x128xi32, #tpu.memory_space<hbm>> -> memref<1x40x128xi32, #tpu.memory_space<hbm>>
      %dma_wait3A_47 = tpu.memref_squeeze %dma_wait3A_46 : memref<1x40x128xi32, #tpu.memory_space<hbm>> -> memref<40x128xi32, #tpu.memory_space<hbm>>
      tpu.wait_dma2 semaphore(%run_scoped3A : memref<!tpu.dma_semaphore, #tpu.memory_space<semaphore_mem>>) src(%dma_wait3A_47 : memref<40x128xi32, #tpu.memory_space<hbm>>) dst(%arg4 : memref<40x128xi32, #tpu.memory_space<vmem>>)
      tpu.yield
    }) : () -> ()
    %broadcast_in_dim3A = arith.constant 0.000000e+00 : f32
    %broadcast_in_dim3A_1 = vector.broadcast %broadcast_in_dim3A : f32 to vector<16xf32>
    %scan3A = arith.constant 0 : i32
    %scan3A_2 = arith.constant 128 : i32
    %scan3A_3 = arith.addi %scan3A, %scan3A_2 : i32
    %scan3A_4 = arith.constant 1 : i32
    scf.for %scan3A_34 = %scan3A to %scan3A_3 step %scan3A_4  : i32 {
      %mul3A_35 = arith.constant 1 : i32
      %mul3A_36 = arith.muli %scan3A_34, %mul3A_35 : i32
      %add3A_37 = arith.constant 0 : i32
      %add3A_38 = arith.addi %add3A_37, %mul3A_36 : i32
      %scan3A_39 = arith.constant 0 : i32
      %scan3A_40 = arith.constant 8 : i32
      %scan3A_41 = arith.addi %scan3A_39, %scan3A_40 : i32
      %scan3A_42 = arith.constant 1 : i32
      scf.for %scan3A_44 = %scan3A_39 to %scan3A_41 step %scan3A_42  : i32 {
        %mul3A_45 = arith.constant 16 : i32
        %mul3A_46 = arith.muli %scan3A_44, %mul3A_45 : i32
        %add3A_47 = arith.constant 0 : i32
        %add3A_48 = arith.addi %add3A_47, %mul3A_46 : i32
        %swap3A = arith.index_cast %add3A_38 : i32 to index
        %swap3A_49 = arith.index_cast %add3A_48 : i32 to index
        %swap3A_50 = tpu.vector_load %arg5[%swap3A, %swap3A_49] {strides = array<i32>} : memref<128x128xf32, #tpu.memory_space<vmem>>, vector<1x16xf32>,
        %swap3A_51 = vector.shape_cast %swap3A_50 : vector<1x16xf32> to vector<16xf32>
        %swap3A_52 = vector.shape_cast %broadcast_in_dim3A_1 : vector<16xf32> to vector<1x16xf32>
        tpu.vector_store %arg5[%swap3A, %swap3A_49], %swap3A_52 {strides = array<i32>} : memref<128x128xf32, #tpu.memory_space<vmem>>, vector<1x16xf32>,
      }
      %scan3A_43 = arith.constant 8 : i32
    }
    %scan3A_5 = arith.constant 128 : i32
    %scan3A_6 = arith.constant 0 : i32
    %scan3A_7 = arith.constant 5 : i32
    %scan3A_8 = arith.addi %scan3A_6, %scan3A_7 : i32
    %scan3A_9 = arith.constant 1 : i32
    scf.for %scan3A_34 = %scan3A_6 to %scan3A_8 step %scan3A_9  : i32 {
      %mul3A_35 = arith.constant 1 : i32
      %mul3A_36 = arith.muli %scan3A_34, %mul3A_35 : i32
      %add3A_37 = arith.constant 0 : i32
      %add3A_38 = arith.addi %add3A_37, %mul3A_36 : i32
      %mul3A_39 = arith.constant 640 : i32
      %mul3A_40 = arith.muli %arg1, %mul3A_39 : i32
      %mul3A_41 = arith.constant 128 : i32
      %mul3A_42 = arith.muli %add3A_38, %mul3A_41 : i32
      %add3A_43 = arith.addi %mul3A_40, %mul3A_42 : i32
      "tpu.region"() ({
        %run_scoped3A = tpu.sem_alloc : memref<!tpu.dma_semaphore, #tpu.memory_space<semaphore_mem>>
        %dma_start3A = arith.constant 0 : i32
        %dma_start3A_44 = tpu.memref_slice %arg6[%add3A_43, %dma_start3A] : memref<10240x128xf32, #tpu.memory_space<vmem_shared>> -> memref<128x128xf32, #tpu.memory_space<vmem_shared>>
        %dma_start3A_45 = arith.constant 0 : i32
        %dma_start3A_46 = tpu.memref_slice %arg6[%add3A_43, %dma_start3A_45] : memref<10240x128xf32, #tpu.memory_space<vmem_shared>> -> memref<128x128xf32, #tpu.memory_space<vmem_shared>>
        tpu.enqueue_dma source(%arg5 : memref<128x128xf32, #tpu.memory_space<vmem>>) target(%dma_start3A_46 : memref<128x128xf32, #tpu.memory_space<vmem_shared>>) target_semaphore(%run_scoped3A : memref<!tpu.dma_semaphore, #tpu.memory_space<semaphore_mem>>)
        %dma_wait3A = arith.constant 0 : i32
        %dma_wait3A_47 = tpu.memref_slice %arg6[%add3A_43, %dma_wait3A] : memref<10240x128xf32, #tpu.memory_space<vmem_shared>> -> memref<128x128xf32, #tpu.memory_space<vmem_shared>>
        %dma_wait3A_48 = arith.constant 0 : i32
        %dma_wait3A_49 = tpu.memref_slice %arg6[%add3A_43, %dma_wait3A_48] : memref<10240x128xf32, #tpu.memory_space<vmem_shared>> -> memref<128x128xf32, #tpu.memory_space<vmem_shared>>
        tpu.wait_dma2 semaphore(%run_scoped3A : memref<!tpu.dma_semaphore, #tpu.memory_space<semaphore_mem>>) src(%arg5 : memref<128x128xf32, #tpu.memory_space<vmem>>) dst(%dma_wait3A_49 : memref<128x128xf32, #tpu.memory_space<vmem_shared>>)
        tpu.yield
      }) : () -> ()
    }
    %scan3A_10 = arith.constant 5 : i32
    %iota3A = tpu.iota {dimensions = array<i32: 0>} : vector<16xi32>
    %eq3A = arith.constant 0 : i32
    %eq3A_11 = vector.broadcast %eq3A : i32 to vector<16xi32>
    %eq3A_12 = arith.cmpi eq, %iota3A, %eq3A_11 : vector<16xi32>
    %jit3A = arith.constant 1.000000e+00 : f32
    %jit3A_13 = arith.constant 0.000000e+00 : f32
    %broadcast_in_dim3A_14 = vector.broadcast %jit3A : f32 to vector<16xf32>
    %broadcast_in_dim3A_15 = vector.broadcast %jit3A_13 : f32 to vector<16xf32>
    %select_n3A = arith.select %eq3A_12, %broadcast_in_dim3A_14, %broadcast_in_dim3A_15 : vector<16xi1>, vector<16xf32>
    %scan3A_16 = arith.constant 0 : i32
    %scan3A_17 = arith.constant 128 : i32
    %scan3A_18 = arith.addi %scan3A_16, %scan3A_17 : i32
    %scan3A_19 = arith.constant 1 : i32
    scf.for %scan3A_34 = %scan3A_16 to %scan3A_18 step %scan3A_19  : i32 {
      %mul3A_35 = arith.constant 1 : i32
      %mul3A_36 = arith.muli %scan3A_34, %mul3A_35 : i32
      %add3A_37 = arith.constant 0 : i32
      %add3A_38 = arith.addi %add3A_37, %mul3A_36 : i32
      %swap3A = arith.index_cast %add3A_38 : i32 to index
      %swap3A_39 = arith.constant 0 : index
      %swap3A_40 = tpu.vector_load %arg5[%swap3A, %swap3A_39] {strides = array<i32>} : memref<128x128xf32, #tpu.memory_space<vmem>>, vector<1x16xf32>,
      %swap3A_41 = vector.shape_cast %swap3A_40 : vector<1x16xf32> to vector<16xf32>
      %swap3A_42 = vector.shape_cast %select_n3A : vector<16xf32> to vector<1x16xf32>
      tpu.vector_store %arg5[%swap3A, %swap3A_39], %swap3A_42 {strides = array<i32>} : memref<128x128xf32, #tpu.memory_space<vmem>>, vector<1x16xf32>,
    }
    %scan3A_20 = arith.constant 128 : i32
    %barrier3A = arith.constant 0 : index
    tpu.barrier barrier_id(%barrier3A)
    %scan3A_21 = arith.constant 0 : i32
    %scan3A_22 = arith.constant 40 : i32
    %scan3A_23 = arith.addi %scan3A_21, %scan3A_22 : i32
    %scan3A_24 = arith.constant 1 : i32
    scf.for %scan3A_34 = %scan3A_21 to %scan3A_23 step %scan3A_24  : i32 {
      %mul3A_35 = arith.constant 1 : i32
      %mul3A_36 = arith.muli %scan3A_34, %mul3A_35 : i32
      %add3A_37 = arith.constant 0 : i32
      %add3A_38 = arith.addi %add3A_37, %mul3A_36 : i32
      "tpu.region"() ({
        %run_scoped3A = tpu.sem_alloc : memref<!tpu.dma_semaphore, #tpu.memory_space<semaphore_mem>>
        %dma_start3A = arith.constant 0 : i32
        %dma_start3A_39 = tpu.memref_slice %arg4[%add3A_38, %dma_start3A] : memref<40x128xi32, #tpu.memory_space<vmem>> -> memref<1x128xi32, #tpu.memory_space<vmem>>
        %dma_start3A_40 = tpu.memref_squeeze %dma_start3A_39 : memref<1x128xi32, #tpu.memory_space<vmem>> -> memref<128xi32, #tpu.memory_space<vmem>>
        %dma_start3A_41 = arith.constant 0 : i32
        %dma_start3A_42 = arith.constant 0 : i32
        %dma_start3A_43 = tpu.memref_slice %arg6[%dma_start3A_41, %dma_start3A_42] : memref<10240x128xf32, #tpu.memory_space<vmem_shared>> -> memref<10240x128xf32, #tpu.memory_space<vmem_shared>>
        tpu.enqueue_indirect_dma source(%arg5 : memref<128x128xf32, #tpu.memory_space<vmem>>) target(%dma_start3A_43 : memref<10240x128xf32, #tpu.memory_space<vmem_shared>>) offsets(%dma_start3A_40 : memref<128xi32, #tpu.memory_space<vmem>>) semaphore(%run_scoped3A : memref<!tpu.dma_semaphore, #tpu.memory_space<semaphore_mem>>) {add = true}
        %dma_wait3A = arith.constant 0 : i32
        %dma_wait3A_44 = tpu.memref_slice %arg4[%add3A_38, %dma_wait3A] : memref<40x128xi32, #tpu.memory_space<vmem>> -> memref<1x128xi32, #tpu.memory_space<vmem>>
        %dma_wait3A_45 = tpu.memref_squeeze %dma_wait3A_44 : memref<1x128xi32, #tpu.memory_space<vmem>> -> memref<128xi32, #tpu.memory_space<vmem>>
        %dma_wait3A_46 = arith.constant 0 : i32
        %dma_wait3A_47 = arith.constant 0 : i32
        %dma_wait3A_48 = tpu.memref_slice %arg6[%dma_wait3A_46, %dma_wait3A_47] : memref<10240x128xf32, #tpu.memory_space<vmem_shared>> -> memref<10240x128xf32, #tpu.memory_space<vmem_shared>>
        tpu.wait_indirect_dma semaphore(%run_scoped3A : memref<!tpu.dma_semaphore, #tpu.memory_space<semaphore_mem>>) src(%arg5 : memref<128x128xf32, #tpu.memory_space<vmem>>) dst(%dma_wait3A_48 : memref<10240x128xf32, #tpu.memory_space<vmem_shared>>)
        tpu.yield
      }) : () -> ()
    }
    %scan3A_25 = arith.constant 40 : i32
    %barrier3A_26 = arith.constant 0 : index
    tpu.barrier barrier_id(%barrier3A_26)
    %mul3A_27 = arith.constant 640 : i32
    %mul3A_28 = arith.muli %arg1, %mul3A_27 : i32
    %mul3A_29 = arith.constant 10240 : i32
    %mul3A_30 = arith.muli %arg0, %mul3A_29 : i32
    %mul3A_31 = arith.constant 640 : i32
    %mul3A_32 = arith.muli %arg1, %mul3A_31 : i32
    %add3A_33 = arith.addi %mul3A_30, %mul3A_32 : i32
    "tpu.region"() ({
      %run_scoped3A = tpu.sem_alloc : memref<!tpu.dma_semaphore, #tpu.memory_space<semaphore_mem>>
      %dma_start3A = arith.constant 0 : i32
      %dma_start3A_34 = tpu.memref_slice %arg3[%add3A_33, %dma_start3A] : memref<20480x128xf32, #tpu.memory_space<hbm>> -> memref<640x128xf32, #tpu.memory_space<hbm>>
      %dma_start3A_35 = arith.constant 0 : i32
      %dma_start3A_36 = tpu.memref_slice %arg6[%mul3A_28, %dma_start3A_35] : memref<10240x128xf32, #tpu.memory_space<vmem_shared>> -> memref<640x128xf32, #tpu.memory_space<vmem_shared>>
      tpu.enqueue_dma source(%dma_start3A_36 : memref<640x128xf32, #tpu.memory_space<vmem_shared>>) target(%dma_start3A_34 : memref<640x128xf32, #tpu.memory_space<hbm>>) target_semaphore(%run_scoped3A : memref<!tpu.dma_semaphore, #tpu.memory_space<semaphore_mem>>)
      %dma_wait3A = arith.constant 0 : i32
      %dma_wait3A_37 = tpu.memref_slice %arg3[%add3A_33, %dma_wait3A] : memref<20480x128xf32, #tpu.memory_space<hbm>> -> memref<640x128xf32, #tpu.memory_space<hbm>>
      %dma_wait3A_38 = arith.constant 0 : i32
      %dma_wait3A_39 = tpu.memref_slice %arg6[%mul3A_28, %dma_wait3A_38] : memref<10240x128xf32, #tpu.memory_space<vmem_shared>> -> memref<640x128xf32, #tpu.memory_space<vmem_shared>>
      tpu.wait_dma2 semaphore(%run_scoped3A : memref<!tpu.dma_semaphore, #tpu.memory_space<semaphore_mem>>) src(%dma_wait3A_39 : memref<640x128xf32, #tpu.memory_space<vmem_shared>>) dst(%dma_wait3A_37 : memref<640x128xf32, #tpu.memory_space<hbm>>)
      tpu.yield
    }) : () -> ()
    return
  }
}

module attributes {stable_mosaic.version = 14 : i64} {
  func.func @body(%arg0: i32, %arg1: i32, %arg2: memref<1024x256xf32, #tpu.memory_space<vmem>>, %arg3: memref<256x128xf32, #tpu.memory_space<vmem>>, %arg4: memref<1024x128xf32, #tpu.memory_space<vmem>>, %arg5: memref<1024x128xf32, #tpu.memory_space<vmem>>, %arg6: memref<1024x128xf32, #tpu.memory_space<vmem>>) attributes {dimension_semantics = [#tpu.dimension_semantics<arbitrary>, #tpu.dimension_semantics<arbitrary>], iteration_bounds = array<i64: 10, 2>, scalar_prefetch = 0 : i64, scratch_operands = 0 : i64, tpu.core_type = #tpu.core_type<tc>, window_params = [{transform_indices = @transform_0, window_bounds = array<i64: 1024, 256>}, {transform_indices = @transform_1, window_bounds = array<i64: 256, 128>}, {transform_indices = @transform_2, window_bounds = array<i64: 1024, 128>}, {transform_indices = @transform_3, window_bounds = array<i64: 1024, 128>}, {transform_indices = @transform_4, window_bounds = array<i64: 1024, 128>}]} {
    %get3A = arith.constant 0 : index
    %get3A_0 = arith.constant 0 : index
    %get3A_1 = vector.load %arg4[%get3A, %get3A_0] : memref<1024x128xf32, #tpu.memory_space<vmem>>, vector<1024x1xf32>
    %get3A_2 = vector.shape_cast %get3A_1 : vector<1024x1xf32> to vector<1024xf32>
    %get3A_3 = arith.constant 0 : index
    %get3A_4 = arith.constant 0 : index
    %get3A_5 = vector.load %arg5[%get3A_3, %get3A_4] : memref<1024x128xf32, #tpu.memory_space<vmem>>, vector<1024x1xf32>
    %get3A_6 = vector.shape_cast %get3A_5 : vector<1024x1xf32> to vector<1024xf32>
    %add3A = arith.addf %get3A_2, %get3A_6 : vector<1024xf32>
    %add3A_7 = arith.constant 1.000000e+00 : f32
    %add3A_8 = vector.broadcast %add3A_7 : f32 to vector<1024xf32>
    %add3A_9 = arith.addf %add3A, %add3A_8 : vector<1024xf32>
    %rsqrt3A = math.rsqrt %add3A_9 : vector<1024xf32>
    %get3A_10 = arith.constant 0 : index
    %get3A_11 = arith.constant 0 : index
    %get3A_12 = vector.load %arg2[%get3A_10, %get3A_11] : memref<1024x256xf32, #tpu.memory_space<vmem>>, vector<1024x256xf32>
    %broadcast_in_dim3A = vector.shape_cast %rsqrt3A : vector<1024xf32> to vector<1024x1xf32>
    %mul3A = vector.broadcast %broadcast_in_dim3A : vector<1024x1xf32> to vector<1024x256xf32>
    %mul3A_13 = arith.mulf %get3A_12, %mul3A : vector<1024x256xf32>
    %get3A_14 = arith.constant 0 : index
    %get3A_15 = arith.constant 0 : index
    %get3A_16 = vector.load %arg3[%get3A_14, %get3A_15] : memref<256x128xf32, #tpu.memory_space<vmem>>, vector<256x128xf32>
    %dot_general3A = arith.constant dense<0.000000e+00> : vector<1024x128xf32>
    %dot_general3A_17 = tpu.matmul %mul3A_13, %get3A_16, %dot_general3A {dimension_numbers = #tpu.dot_dimension_numbers<[1], [0], [0], [1], [0, 0, 1, 1], [], []>, transpose_lhs_hint = false} : vector<1024x256xf32>, vector<256x128xf32>, vector<1024x128xf32> -> vector<1024x128xf32>
    %swap3A = arith.constant 0 : index
    %swap3A_18 = arith.constant 0 : index
    %swap3A_19 = vector.load %arg6[%swap3A, %swap3A_18] : memref<1024x128xf32, #tpu.memory_space<vmem>>, vector<1024x128xf32>
    tpu.vector_store %arg6[%swap3A, %swap3A_18], %dot_general3A_17 {strides = array<i32>} : memref<1024x128xf32, #tpu.memory_space<vmem>>, vector<1024x128xf32>,
    return
  }
  func.func @transform_0(%arg0: i32, %arg1: i32) -> (i32, i32) {
    %c0_i32 = arith.constant 0 : i32
    %c0_i32_0 = arith.constant 0 : i32
    return %arg0, %c0_i32 : i32, i32
  }
  func.func @transform_1(%arg0: i32, %arg1: i32) -> (i32, i32) {
    %c0_i32 = arith.constant 0 : i32
    %c0_i32_0 = arith.constant 0 : i32
    return %c0_i32, %arg1 : i32, i32
  }
  func.func @transform_2(%arg0: i32, %arg1: i32) -> (i32, i32) {
    %c0_i32 = arith.constant 0 : i32
    %c0_i32_0 = arith.constant 0 : i32
    return %arg0, %c0_i32 : i32, i32
  }
  func.func @transform_3(%arg0: i32, %arg1: i32) -> (i32, i32) {
    %add3A = arith.constant 10 : i32
    %add3A_0 = arith.addi %add3A, %arg0 : i32
    %c0_i32 = arith.constant 0 : i32
    %c0_i32_1 = arith.constant 0 : i32
    return %add3A_0, %c0_i32 : i32, i32
  }
  func.func @transform_4(%arg0: i32, %arg1: i32) -> (i32, i32) {
    %mul3A = arith.constant 10 : i32
    %mul3A_0 = arith.muli %arg1, %mul3A : i32
    %add3A = arith.addi %mul3A_0, %arg0 : i32
    %c0_i32 = arith.constant 0 : i32
    %c0_i32_1 = arith.constant 0 : i32
    return %add3A, %c0_i32 : i32, i32
  }
}

module attributes {stable_mosaic.version = 14 : i64} {
  func.func @body(%arg0: i32, %arg1: memref<1024x128xf32, #tpu.memory_space<vmem>>, %arg2: memref<1024x128xf32, #tpu.memory_space<vmem>>, %arg3: memref<1024x128xf32, #tpu.memory_space<vmem>>, %arg4: memref<1024x128xf32, #tpu.memory_space<vmem>>, %arg5: memref<1024x128xf32, #tpu.memory_space<vmem>>, %arg6: memref<1024x128xf32, #tpu.memory_space<vmem>>, %arg7: memref<1x256xf32, #tpu.memory_space<vmem>>, %arg8: memref<1024x256xf32, #tpu.memory_space<vmem>>) attributes {dimension_semantics = [#tpu.dimension_semantics<arbitrary>], iteration_bounds = array<i64: 10>, scalar_prefetch = 0 : i64, scratch_operands = 0 : i64, tpu.core_type = #tpu.core_type<tc>, window_params = [{transform_indices = @transform_0, window_bounds = array<i64: 1024, 128>}, {transform_indices = @transform_1, window_bounds = array<i64: 1024, 128>}, {transform_indices = @transform_2, window_bounds = array<i64: 1024, 128>}, {transform_indices = @transform_3, window_bounds = array<i64: 1024, 128>}, {transform_indices = @transform_4, window_bounds = array<i64: 1024, 128>}, {transform_indices = @transform_5, window_bounds = array<i64: 1024, 128>}, {pipeline_mode = #tpu.pipeline_mode<synchronous>, transform_indices = @transform_6, window_bounds = array<i64: 1, 256>}, {transform_indices = @transform_7, window_bounds = array<i64: 1024, 256>}]} {
    %get3A = arith.constant 0 : index
    %get3A_0 = arith.constant 0 : index
    %get3A_1 = vector.load %arg5[%get3A, %get3A_0] : memref<1024x128xf32, #tpu.memory_space<vmem>>, vector<1024x1xf32>
    %get3A_2 = vector.shape_cast %get3A_1 : vector<1024x1xf32> to vector<1024xf32>
    %get3A_3 = arith.constant 0 : index
    %get3A_4 = arith.constant 0 : index
    %get3A_5 = vector.load %arg6[%get3A_3, %get3A_4] : memref<1024x128xf32, #tpu.memory_space<vmem>>, vector<1024x1xf32>
    %get3A_6 = vector.shape_cast %get3A_5 : vector<1024x1xf32> to vector<1024xf32>
    %add3A = arith.addf %get3A_2, %get3A_6 : vector<1024xf32>
    %add3A_7 = arith.constant 1.000000e+00 : f32
    %add3A_8 = vector.broadcast %add3A_7 : f32 to vector<1024xf32>
    %add3A_9 = arith.addf %add3A, %add3A_8 : vector<1024xf32>
    %rsqrt3A = math.rsqrt %add3A_9 : vector<1024xf32>
    %broadcast_in_dim3A = vector.shape_cast %rsqrt3A : vector<1024xf32> to vector<1024x1xf32>
    %get3A_10 = arith.constant 0 : index
    %get3A_11 = arith.constant 0 : index
    %get3A_12 = vector.load %arg1[%get3A_10, %get3A_11] : memref<1024x128xf32, #tpu.memory_space<vmem>>, vector<1024x128xf32>
    %get3A_13 = arith.constant 0 : index
    %get3A_14 = arith.constant 0 : index
    %get3A_15 = vector.load %arg3[%get3A_13, %get3A_14] : memref<1024x128xf32, #tpu.memory_space<vmem>>, vector<1024x128xf32>
    %add3A_16 = arith.addf %get3A_12, %get3A_15 : vector<1024x128xf32>
    %mul3A = vector.broadcast %broadcast_in_dim3A : vector<1024x1xf32> to vector<1024x128xf32>
    %mul3A_17 = arith.mulf %mul3A, %add3A_16 : vector<1024x128xf32>
    %get3A_18 = arith.constant 0 : index
    %get3A_19 = arith.constant 0 : index
    %get3A_20 = vector.load %arg2[%get3A_18, %get3A_19] : memref<1024x128xf32, #tpu.memory_space<vmem>>, vector<1024x128xf32>
    %get3A_21 = arith.constant 0 : index
    %get3A_22 = arith.constant 0 : index
    %get3A_23 = vector.load %arg4[%get3A_21, %get3A_22] : memref<1024x128xf32, #tpu.memory_space<vmem>>, vector<1024x128xf32>
    %add3A_24 = arith.addf %get3A_20, %get3A_23 : vector<1024x128xf32>
    %mul3A_25 = vector.broadcast %broadcast_in_dim3A : vector<1024x1xf32> to vector<1024x128xf32>
    %mul3A_26 = arith.mulf %mul3A_25, %add3A_24 : vector<1024x128xf32>
    %concatenate3A = tpu.concatenate %mul3A_17, %mul3A_26 in 1 : vector<1024x128xf32>, vector<1024x128xf32> -> vector<1024x256xf32>
    %get3A_27 = arith.constant 0 : index
    %get3A_28 = arith.constant 0 : index
    %get3A_29 = vector.load %arg7[%get3A_27, %get3A_28] : memref<1x256xf32, #tpu.memory_space<vmem>>, vector<1x256xf32>
    %add3A_30 = vector.broadcast %get3A_29 : vector<1x256xf32> to vector<1024x256xf32>
    %add3A_31 = arith.addf %concatenate3A, %add3A_30 : vector<1024x256xf32>
    %max3A = arith.constant 0.000000e+00 : f32
    %max3A_32 = vector.broadcast %max3A : f32 to vector<1024x256xf32>
    %max3A_33 = arith.maximumf %add3A_31, %max3A_32 : vector<1024x256xf32>
    %swap3A = arith.constant 0 : index
    %swap3A_34 = arith.constant 0 : index
    %swap3A_35 = vector.load %arg8[%swap3A, %swap3A_34] : memref<1024x256xf32, #tpu.memory_space<vmem>>, vector<1024x256xf32>
    tpu.vector_store %arg8[%swap3A, %swap3A_34], %max3A_33 {strides = array<i32>} : memref<1024x256xf32, #tpu.memory_space<vmem>>, vector<1024x256xf32>,
    return
  }
  func.func @transform_0(%arg0: i32) -> (i32, i32) {
    %c0_i32 = arith.constant 0 : i32
    %c0_i32_0 = arith.constant 0 : i32
    return %arg0, %c0_i32 : i32, i32
  }
  func.func @transform_1(%arg0: i32) -> (i32, i32) {
    %add3A = arith.constant 10 : i32
    %add3A_0 = arith.addi %add3A, %arg0 : i32
    %c0_i32 = arith.constant 0 : i32
    %c0_i32_1 = arith.constant 0 : i32
    return %add3A_0, %c0_i32 : i32, i32
  }
  func.func @transform_2(%arg0: i32) -> (i32, i32) {
    %c0_i32 = arith.constant 0 : i32
    %c0_i32_0 = arith.constant 0 : i32
    return %arg0, %c0_i32 : i32, i32
  }
  func.func @transform_3(%arg0: i32) -> (i32, i32) {
    %add3A = arith.constant 10 : i32
    %add3A_0 = arith.addi %add3A, %arg0 : i32
    %c0_i32 = arith.constant 0 : i32
    %c0_i32_1 = arith.constant 0 : i32
    return %add3A_0, %c0_i32 : i32, i32
  }
  func.func @transform_4(%arg0: i32) -> (i32, i32) {
    %c0_i32 = arith.constant 0 : i32
    %c0_i32_0 = arith.constant 0 : i32
    return %arg0, %c0_i32 : i32, i32
  }
  func.func @transform_5(%arg0: i32) -> (i32, i32) {
    %add3A = arith.constant 10 : i32
    %add3A_0 = arith.addi %add3A, %arg0 : i32
    %c0_i32 = arith.constant 0 : i32
    %c0_i32_1 = arith.constant 0 : i32
    return %add3A_0, %c0_i32 : i32, i32
  }
  func.func @transform_6(%arg0: i32) -> (i32, i32) {
    %c0_i32 = arith.constant 0 : i32
    %c0_i32_0 = arith.constant 0 : i32
    %c0_i32_1 = arith.constant 0 : i32
    return %c0_i32, %c0_i32_0 : i32, i32
  }
  func.func @transform_7(%arg0: i32) -> (i32, i32) {
    %c0_i32 = arith.constant 0 : i32
    %c0_i32_0 = arith.constant 0 : i32
    return %arg0, %c0_i32 : i32, i32
  }
}

</mosaic_0001>

<sc_bundles>
// kernel: kernel.6.cloned.1.call-start
scs
__scs_entry_jumppad:
0x0: {  	(pc) =	sbr.rel $0x88, $3  }
0x1: {  	(tag) =	ssettag $0x0;
	lr =	simm.s32 $0x1  }
0x2: {  	[smem:$0x3F9D] =	sst lr;
	_ =	strace $0xD0000000  }
0x3: {  	_ = 	snop  }
0x4: {  	_ = 	snop  }
0x5: {  	_ = 	snop  }
0x6: {  	_ = 	snop  }
0x7: {  	_ = 	snop  }
__scs_overlays_trampoline_lowered:
0x8: {  	[smem:$0x3FAC] =	sst s0  }
0x9: {  	[smem:$0x3FAD] =	sst s1  }
0xa: {  	[smem:$0x3FAE] =	sst s2  }
0xb: {  	[smem:$0x3FAF] =	sst s3  }
0xc: {  	[smem:$0x3FB0] =	sst s4  }
0xd: {  	[smem:$0x3FB1] =	sst s5  }
0xe: {  	[smem:$0x3FB2] =	sst s6  }
0xf: {  	[smem:$0x3FB3] =	sst s7  }
0x10: {  	[smem:$0x3FB4] =	sst s8  }
0x11: {  	[smem:$0x3FB5] =	sst s9;
	s0 =	simm.s32 @!p0 $0x0  }
0x12: {  	s1 =	sld [smem:$0x3F9B];
	s0 =	simm.s32 @p0 $0x1  }
0x13: {  	[smem:$0x3FB6] =	sst s0;
	s0 =	simm.s32 @!p1 $0x0  }
0x14: {  	s2 =	sld [smem:$0x3F9A];
	s0 =	simm.s32 @p1 $0x1  }
0x15: {  	[smem:$0x3FB7] =	sst s0;
	s0 =	simm.s32 @!p2 $0x0  }
0x16: {  	s3 =	sld [smem:$0x3FDB];
	s0 =	simm.s32 @p2 $0x1  }
0x17: {  	s4 =	simm.s32 $0x1BF5;
	[smem:$0x3FB9] =	sst s0  }
0x18: {  	s0 =	sld [smem:$0x3F9C];
	_ =	swait.ge [sflag:s4], $0x0  }
0x19: {  	s7 =	sld [smem:$0x3F9D]  }
0x1a: {  	s8 =	sadd.s32 $0xFFFFE003, lr  }
0x1b: {  	s9 =	sadd.s32 $0xFFFFFEF7, lr;
	s5 =	simm.s32 $0xFFFFFFFF;
	p2 =	slt.u32 s8, $0xFFFFF086  }
0x1c: {  	p1 =	slt.u32 s9, $0xF7A;
	s5 =	simm.s32 @!p2 $0x0  }
0x1d: {  	s5 =	simm.s32 @p1 $0x1;
	p0 =	seq.s32 s7, s2  }
0x1e: {  	s7 =	smul.u32 @!p0 $0xF7A, s2;
	p2 =	seq.s32 @!p0 s5, $0x0  }
0x1f: {  	s9 =	smul.u32 $0xF7A, s1;
	s8 =	simm.s32 @!p0 $0x1BF5;
	p2 =	por !p2, p0  }
0x20: {  	[sflag:s8] =	ssyncset.s32 @!p0 $0xFFFFF086;
	s6 =	sadd.s32 @!p0 s3, s7;
	s7 =	simm.s32 @!p0 $0x108  }
0x21: {  	s3 =	sadd.s32 s3, s9;
	s6 =	sadd.s32 @!p0 $0x88, s6;
	s7 =	simm.s32 @p2 $0x1082  }
0x22: {  	[simem:s7], [sflag:s8] =	dma.local @!p0 [hbm:s6], $0xF7A  }
0x23: {  	s9 =	sor.u32 $0xD0000000, s2;
	s6 =	simm.s32 $0x108;
	_ =	swait.ge @!p0 [sflag:s8], $0x0  }
0x24: {  	s3 =	sadd.s32 $0x88, s3;
	s6 =	simm.s32 @!p1 $0x1082;
	[sflag:s4] =	ssyncset.s32 $0xFFFFF086  }
0x25: {  	[simem:s6], [sflag:s4] =	dma.local [hbm:s3], $0xF7A  }
0x26: {  	[smem:$0x3F9D] =	sst s1;
	(tag) =	ssettag s2;
	_ =	strace s9  }
0x27: {  	s1 =	sld [smem:$0x3FAD]  }
0x28: {  	s2 =	sld [smem:$0x3FAE]  }
0x29: {  	s4 =	sld [smem:$0x3FB0]  }
0x2a: {  	p0 =	seq.s32 s5, $0x0;
	s5 =	sld [smem:$0x3FB1]  }
0x2b: {  	s6 =	sld [smem:$0x3FB2]  }
0x2c: {  	s7 =	sld [smem:$0x3FB3]  }
0x2d: {  	s3 =	simm.s32 $0x108;
	s8 =	sld [smem:$0x3FB4]  }
0x2e: {  	s3 =	simm.s32 @!p0 $0x1082;
	s9 =	sld [smem:$0x3FB5]  }
0x2f: {  	lr =	sadd.s32 s0, s3;
	s0 =	sld [smem:$0x3FAC]  }
0x30: {  	s3 =	sld [smem:$0x3FAF]  }
0x31: {  	[smem:$0x3FB8] =	sst s10  }
0x32: {  	s10 =	sld [smem:$0x3FB6];
	_ =	sdelay $0x3  }
0x33: {  	p0 =	seq.s32 s10, $0x1;
	s10 =	sld [smem:$0x3FB8];
	_ =	sdelay $0x3  }
0x34: {  	[smem:$0x3FB8] =	sst s10  }
0x35: {  	s10 =	sld [smem:$0x3FB7];
	_ =	sdelay $0x3  }
0x36: {  	p1 =	seq.s32 s10, $0x1;
	s10 =	sld [smem:$0x3FB8];
	_ =	sdelay $0x3  }
0x37: {  	[smem:$0x3FB8] =	sst s10  }
0x38: {  	s10 =	sld [smem:$0x3FB9]  }
0x39: {  	_ = 	snop;
	(pc) =	sbr.ind lr, $3  }
0x3a: {  	_ = 	snop  }
0x3b: {  	_ = 	snop  }
0x3c: {  	p2 =	seq.s32 s10, $0x1;
	s10 =	sld [smem:$0x3FB8]  }
0x3d: {  	_ =	shalt  }
0x3e: {  	_ =	shalt  }
0x3f: {  	_ =	shalt  }
0x40: {  	_ =	shalt  }
0x41: {  	_ =	shalt  }
0x42: {  	_ =	shalt  }
0x43: {  	_ =	shalt  }
0x44: {  	_ =	shalt  }
0x45: {  	_ =	shalt  }
0x46: {  	_ =	shalt  }
0x47: {  	_ =	shalt  }
0x48: {  	_ =	shalt  }
0x49: {  	_ =	shalt  }
0x4a: {  	_ =	shalt  }
0x4b: {  	_ =	shalt  }
0x4c: {  	_ =	shalt  }
0x4d: {  	_ =	shalt  }
0x4e: {  	_ =	shalt  }
0x4f: {  	_ =	shalt  }
0x50: {  	_ =	shalt  }
0x51: {  	_ =	shalt  }
0x52: {  	_ =	shalt  }
0x53: {  	_ =	shalt  }
0x54: {  	_ =	shalt  }
0x55: {  	_ =	shalt  }
0x56: {  	_ =	shalt  }
0x57: {  	_ =	shalt  }
0x58: {  	_ =	shalt  }
0x59: {  	_ =	shalt  }
0x5a: {  	_ =	shalt  }
0x5b: {  	_ =	shalt  }
0x5c: {  	_ =	shalt  }
0x5d: {  	_ =	shalt  }
0x5e: {  	_ =	shalt  }
0x5f: {  	_ =	shalt  }
0x60: {  	_ =	shalt  }
0x61: {  	_ =	shalt  }
0x62: {  	_ =	shalt  }
0x63: {  	_ =	shalt  }
0x64: {  	_ =	shalt  }
0x65: {  	_ =	shalt  }
0x66: {  	_ =	shalt  }
0x67: {  	_ =	shalt  }
0x68: {  	_ =	shalt  }
0x69: {  	_ =	shalt  }
0x6a: {  	_ =	shalt  }
0x6b: {  	_ =	shalt  }
0x6c: {  	_ =	shalt  }
0x6d: {  	_ =	shalt  }
0x6e: {  	_ =	shalt  }
0x6f: {  	_ =	shalt  }
0x70: {  	_ =	shalt  }
0x71: {  	_ =	shalt  }
0x72: {  	_ =	shalt  }
0x73: {  	_ =	shalt  }
0x74: {  	_ =	shalt  }
0x75: {  	_ =	shalt  }
0x76: {  	_ =	shalt  }
0x77: {  	_ =	shalt  }
0x78: {  	_ =	shalt  }
0x79: {  	_ =	shalt  }
0x7a: {  	_ =	shalt  }
0x7b: {  	_ =	shalt  }
0x7c: {  	_ =	shalt  }
0x7d: {  	_ =	shalt  }
0x7e: {  	_ =	shalt  }
0x7f: {  	_ =	shalt  }
0x80: {  	_ =	shalt  }
0x81: {  	_ =	shalt  }
0x82: {  	_ =	shalt  }
0x83: {  	_ =	shalt  }
0x84: {  	_ =	shalt  }
0x85: {  	_ =	shalt  }
0x86: {  	_ =	shalt  }
0x87: {  	_ =	shalt  }
.Lfunc_end0:
.L_simem_size_0:
called_computation_lowered:
.L_overlay_start_0:
0x88: {  	s2 =	sld [smem:$0x3FD9]  }
0x89: {  	s3 =	sld [smem:$0x3FFE];
	_ =	sdelay $0x1  }
0x8a: {  	s1 =	srdreg.scid  }
0x8b: {  	s0 =	sand.u32 $0x1, s1  }
0x8c: {  	s16 =	sshll.u32 s0, $0xA;
	s2 =	sadd.s32 s3, s2  }
0x8d: {  	s2 =	sadd.s32 s2, s16  }
0x8e: {  	[smem:$0x3FC4] =	sst s2  }
0x8f: {  	_ = 	snop  }
0x90: {  	(tm) =	ssettm $0x1  }
0x91: {  	s17 =	sld [smem:$0x3FFB];
	_ =	sdelay $0x3  }
0x92: {  	_ =	strace s17  }
0x93: {  	s2 =	sld [smem:$0x3FFC];
	_ =	sdelay $0x3  }
0x94: {  	_ =	strace s2  }
0x95: {  	s2 =	sld [smem:$0x3FFD];
	_ =	sdelay $0x3  }
0x96: {  	_ =	strace s2  }
0x97: {  	_ =	strace $0x8FFFFFFF  }
0x98: {  	s18 =	sld [smem:$0x3FDB];
	_ =	sdelay $0x1  }
0x99: {  	s19 =	simm.s32 $_scs_section_size  }
0x9a: {  	s4 =	simm.s32 $_size__tile_overlayer_lowered;
	s5 =	simm.s32 $_tile_overlayer_lowered  }
0x9b: {  	s22 =	simm.s32 $0x1BFF;
	s21 =	sshll.u32 s5, $0x1;
	s2 =	sadd.s32 s19, s18  }
0x9c: {  	s6 =	simm.s32 $0x0;
	s20 =	sshll.u32 s4, $0x1;
	s4 =	sadd.s32 s21, s2  }
0x9d: {  	[timem:s6], [sflag:s22] =	dma.local [hbm:s4], s20  }
0x9e: {  	_ =	swait.ge [sflag:s22], s20  }
0x9f: {  	s3 =	ssub.s32 $0x0, s20;
	[sflag:s22] =	ssyncset.done $0x0  }
0xa0: {  	[sflag:s22] =	ssyncadd.s32 s3;
	_ =	sdelay $0x1  }
0xa1: {  	s23 =	simm.s32 $0x1B8B  }
0xa2: {  	_ =	swait.ge [sflag:s23], $0x1  }
0xa3: {  	[sflag:s23] =	ssyncset.done $0x0  }
0xa4: {  	s25 =	simm.s32 $0x1B8E;
	s24 =	sld [smem:$0x3FFE];
	[sflag:s23] =	ssyncadd.s32 $0xFFFFFFFF  }
0xa5: {  	s26 =	simm.s32 $execute0_lowered;
	[smem:$0x3FD2] =	sst s25  }
0xa6: {  	s4 =	sshll.u32 s26, $0x1;
	_ =	strace $0x80000046;
	[dreg:$0x1] =	wrdreg $0xFFFFFFFF  }
0xa7: {  	s28 =	simm.s32 $_size_execute0_lowered;
	s2 =	sadd.s32 s2, s4;
	[dreg:$0x0] =	wrdreg $0x0  }
0xa8: {  	s4 =	sshll.u32 s28, $0x1;
	[dreg:$0x2] =	wrdreg s2  }
0xa9: {  	[dreg:$0x3] =	wrdreg s4  }
0xaa: {  	[dreg:$0x4] =	wrdreg $0xC0  }
0xab: {  	_ =	task [dreg:s6], $0x5FFFF  }
0xac: {  	[dreg:$0x1] =	wrdreg $0xFFFFFFFF  }
0xad: {  	[dreg:$0x0] =	wrdreg $0x60  }
0xae: {  	[dreg:$0x2] =	wrdreg s24  }
0xaf: {  	[dreg:$0x3] =	wrdreg $0x54000  }
0xb0: {  	[dreg:$0x4] =	wrdreg $0x9  }
0xb1: {  	_ =	task.clear_ibuf [dreg:s6], $0x5FFFF;
	_ =	strace $0x90000046  }
0xb2: {  	s29 =	simm.s32 $0x9;
	_ =	strace $0x80000048  }
0xb3: {  	_ =	swait.ge [sflag:s29], $0x1  }
0xb4: {  	[sflag:s29] =	ssyncadd.s32 $0xFFFFFFFF  }
0xb5: {  	_ =	strace $0x90000048  }
0xb6: {  	_ =	sfence  }
0xb7: {  	s30 =	sld [smem:$0x0];
	_ =	sdelay $0x2  }
0xb8: {  	s31 =	sshll.u32 s1, $0xD;
	s1 =	sshrl.u32 s1, $0x2  }
0xb9: {  	s3 =	sand.u32 $0x4000, s31;
	s1 =	sadd.s32 s1, s30  }
0xba: {  	s0 =	sor.u32 s3, s0;
	s1 =	sshll.u32 s1, $0x11  }
0xbb: {  	s0 =	sor.u32 s1, s0  }
0xbc: {  	s0 =	sadd.s32 $0x8F2B, s0  }
0xbd: {  	[sflag:s0] =	ssyncadd.remote.s32 $0x1  }
0xbe: {  	_ =	sfence.sel $0xFFFF  }
0xbf: {  	[dreg:$0x0] =	wrdreg $0xFFFFFFFF;
	(pc) =	sbr.abs _section_cstart, $3  }
0xc0: {  	[dreg:$0x1] =	wrdreg $0xFFFFFFFF  }
0xc1: {  	_ =	task.clear_ibuf [dreg:s6], $0x2FFFF;
	_ =	strace $0x9FFFFFFF  }
0xc2: {  	(tm) =	ssettm $0x7FFFFFFF  }
0xc3: {  	_ =	shalt  }
tec
execute0_lowered:
.L_overlay_start_1:
0x0: {  	(tag) =	ssettag $0x1  }
0x1: {  	s5 =	rddreg [dreg:$0x0]  }
0x2: {  	s0 =	srdreg.scid;
	s2 =	rddreg [dreg:$0x1];
	s3 =	simm.s32 $0x0  }
0x3: {  	s12 =	simm.s32 $0x1;
	s13 =	simm.s32 $0x1400;
	s4 =	sand.u32 $0x1, s0  }
0x4: {  	s14 =	simm.s32 $0x80;
	s0 =	stileid.u32;
	s7 =	smul.u32 $0x28000, s4  }
0x5: {  	s17 =	simm.s32 $0x0;
	[smem:$0x7FF] =	sst s3;
	s8 =	smul.u32 $0x2800, s0  }
0x6: {  	s1 =	sshll.u32 s4, $0x4;
	s4 =	ssub.s32 $0x2, s4;
	s9 =	smul.u32 $0x50000, s0  }
0x7: {  	s15 =	sshll.u32 s0, $0x6;
	s1 =	sor.u32 s0, s1;
	s30 =	sshrl.u32 s4, $0x1  }
0x8: {  	s15 =	sor.u32 $0x1C01, s15;
	s6 =	smul.u32 $0x280, s1;
	s1 =	rddreg [dreg:$0x2]  }
0x9: {  	_ =	strace $0x80000047;
	s7 =	sadd.s32 s8, s7;
	s8 =	ssub.s32 s4, s30  }
0xa: {  	s31 =	sshrl.u32 s9, $0x2;
	s7 =	sadd.s32 s7, s5;
	s6 =	sadd.s32 s6, s5  }
0xb: {  	s5 =	sadd.s32 s31, s2;
	s4 =	sadd.s32 $0x1400, s6;
	s6 =	sadd.s32 $0x6400, s7  }
0xc: {  	v0 =	vimm.f32 $0.0e+00;
	vm0 =	vcmask $0x300;
	s7 =	smax.u32 s8, $0x1;
	s8 =	sadd.s32 $0x4000, s5;
	s9 =	sadd.s32 $0x8000, s5  }
0xd: {  	v1 =	vsel vm0, $0x3F800000, v0;
	s10 =	sadd.s32 $0xC000, s5;
	s11 =	sadd.s32 $0x10000, s5;
	s16 =	sshrl.u32 s5, $0x3  }
.LBB2_1:
0xe: {  	[tilespmem:s3], [sflag:$0x1] =	stream.linear.gather [hbm4b:s4+s3], $0x1400, $0x38;
	[tilespmem:$0x19400] =	vst v63  }
0xf: {  	_ =	swait.ge [sflag:s12], $0x1400  }
0x10: {  	[sflag:s12] =	ssyncset.done $0x0  }
0x11: {  	s18 =	simm.s32 $0x0;
	s19 =	simm.s32 $0x200;
	[sflag:s12] =	ssyncadd.s32 $0xFFFFEC00  }
.LBB2_2:
0x12: {  	p0 =	sne.s32 s19, $0xFE00;
	[tilespmem:s18+$0x1470] =	vst v0  }
0x13: {  	[tilespmem:s18+$0x1400] =	vst v0  }
0x14: {  	[tilespmem:s18+$0x1410] =	vst v0  }
.Ltmp0:
0x15: {  	[tilespmem:s18+$0x1420] =	vst v0;
	(pc) =	sbr.rel @p0 .LBB2_2-.Ltmp0, $4  }
0x16: {  	[tilespmem:s18+$0x1430] =	vst v0  }
0x17: {  	[tilespmem:s18+$0x1440] =	vst v0  }
0x18: {  	[tilespmem:s18+$0x1450] =	vst v0  }
0x19: {  	[tilespmem:s18+$0x1460] =	vst v0;
	s18 =	sshra.s32 s19, $0x2;
	s19 =	sadd.s32 $0x200, s19  }
0x1a: {  	[tilespmem:s18+$0x1470] =	vst v0  }
0x1b: {  	[tilespmem:s18+$0x1400] =	vst v0  }
0x1c: {  	[tilespmem:s18+$0x1410] =	vst v0  }
0x1d: {  	[tilespmem:s18+$0x1420] =	vst v0  }
0x1e: {  	[tilespmem:s18+$0x1430] =	vst v0  }
0x1f: {  	[tilespmem:s18+$0x1440] =	vst v0  }
0x20: {  	[tilespmem:s18+$0x1450] =	vst v0  }
0x21: {  	[tilespmem:s18+$0x1460] =	vst v0  }
0x22: {  	[spmem:s5] =	stream.linear.scatter [tilespmem:s13], [sflag:$0x1], $0x4000, $0x38;
	[tilespmem:$0x19400] =	vst v63  }
0x23: {  	_ =	swait.ge [sflag:s12], $0x4000  }
0x24: {  	[sflag:s12] =	ssyncset.done $0x0  }
0x25: {  	[sflag:s12] =	ssyncadd.s32 $0xFFFFC000  }
0x26: {  	[spmem:s8] =	stream.linear.scatter [tilespmem:s13], [sflag:$0x1], $0x4000, $0x38;
	[tilespmem:$0x19400] =	vst v63  }
0x27: {  	_ =	swait.ge [sflag:s12], $0x4000  }
0x28: {  	[sflag:s12] =	ssyncset.done $0x0  }
0x29: {  	[sflag:s12] =	ssyncadd.s32 $0xFFFFC000  }
0x2a: {  	[spmem:s9] =	stream.linear.scatter [tilespmem:s13], [sflag:$0x1], $0x4000, $0x38;
	[tilespmem:$0x19400] =	vst v63  }
0x2b: {  	_ =	swait.ge [sflag:s12], $0x4000  }
0x2c: {  	[sflag:s12] =	ssyncset.done $0x0  }
0x2d: {  	[sflag:s12] =	ssyncadd.s32 $0xFFFFC000  }
0x2e: {  	[spmem:s10] =	stream.linear.scatter [tilespmem:s13], [sflag:$0x1], $0x4000, $0x38;
	[tilespmem:$0x19400] =	vst v63  }
0x2f: {  	_ =	swait.ge [sflag:s12], $0x4000  }
0x30: {  	[sflag:s12] =	ssyncset.done $0x0  }
0x31: {  	[sflag:s12] =	ssyncadd.s32 $0xFFFFC000  }
0x32: {  	[spmem:s11] =	stream.linear.scatter [tilespmem:s13], [sflag:$0x1], $0x4000, $0x38;
	[tilespmem:$0x19400] =	vst v63  }
0x33: {  	_ =	swait.ge [sflag:s12], $0x4000  }
0x34: {  	[sflag:s12] =	ssyncset.done $0x0  }
0x35: {  	s18 =	simm.s32 $0x200;
	s19 =	simm.s32 $0x0;
	[sflag:s12] =	ssyncadd.s32 $0xFFFFC000  }
.LBB2_4:
0x36: {  	p0 =	sne.s32 s18, $0xFE00;
	[tilespmem:s19+$0x1400] =	vst v1;
	s19 =	smov.u32 s18;
	s18 =	sadd.s32 $0x200, s18  }
.Ltmp1:
0x37: {  	(pc) =	sbr.rel @p0 .LBB2_4-.Ltmp1, $2  }
0x38: {  	_ =	sdelay $0x2  }
0x39: {  	s19 =	sshra.s32 s19, $0x2  }
0x3a: {  	[tilespmem:s19+$0x1400] =	vst v1  }
0x3b: {  	s18 =	simm.s32 $0x0;
	[bflag:$0x0] =	sbarrier.arrive $0xFFFF  }
0x3c: {  	[spmem:s2] =	stream.indirect.scatter.add.f32 [tilespmem:s13], [sflag:$0x1], $0x80, s18, s14, $0xb8;
	[tilespmem:$0x19400] =	vst v63  }
0x3d: {  	_ =	swait.ge [sflag:s12], $0x4000  }
0x3e: {  	s18 =	simm.s32 $0x200;
	[sflag:s12] =	ssyncset.done $0x0  }
.LBB2_6:
0x3f: {  	s19 =	sshra.s32 s18, $0x2;
	[sflag:s12] =	ssyncadd.s32 $0xFFFFC000;
	p0 =	sne.s32 s18, $0x4E00  }
0x40: {  	[spmem:s2] =	stream.indirect.scatter.add.f32 [tilespmem:s13], [sflag:$0x1], $0x80, s19, s14, $0xb8;
	[tilespmem:$0x19400] =	vst v63  }
.Ltmp2:
0x41: {  	_ = 	snop;
	(pc) =	sbr.rel @p0 .LBB2_6-.Ltmp2, $4  }
0x42: {  	_ = 	snop  }
0x43: {  	s18 =	sadd.s32 $0x200, s18  }
0x44: {  	_ =	swait.ge [sflag:s12], $0x4000  }
0x45: {  	[sflag:s12] =	ssyncset.done $0x0  }
0x46: {  	s17 =	sadd.s32 $0x1, s17  }
0x47: {  	[sflag:s12] =	ssyncadd.s32 $0xFFFFC000;
	p0 =	sne.s32 s17, s7  }
.Ltmp3:
0x48: {  	[bflag:$0x0] =	sbarrier.arrive $0xFFFF;
	(pc) =	sbr.rel @p0 .LBB2_1-.Ltmp3, $4  }
0x49: {  	[hbm:s6], [sflag:s15] =	dma.local [spmem:s16], $0x2800  }
0x4a: {  	_ =	swait.ge [sflag:s12], $0x2800  }
0x4b: {  	[sflag:s12] =	ssyncset.done $0x0  }
0x4c: {  	[sflag:s12] =	ssyncadd.s32 $0xFFFFD800  }
0x4d: {  	_ =	sfence.sel $0x180000  }
0x4e: {  	[bflag:$0x0] =	sbarrier.arrive $0xFFFF  }
0x4f: {  	p0 =	sne.s32 s0, $0x0;
	_ =	strace $0x90000047  }
0x50: {  	s0 =	sadd.s32 @!p0 $0x100000, s1;
	[bflag:$0x2] =	sbarrier.arrive $0xFFFF  }
0x51: {  	[sflag:s0] =	ssyncadd.tile.s32 @!p0 $0x1;
	_ =	shalt  }
.Lfunc_end2:
_tile_overlayer_lowered:
.L_overlay_start_2:
0x52: {  	(tag) =	ssettag $0x2  }
0x53: {  	s0 =	rddreg [dreg:$0x0];
	s2 =	stileid.u32  }
0x54: {  	s1 =	rddreg [dreg:$0x1];
	p0 =	sne.s32 s2, $0x0  }
0x55: {  	s3 =	rddreg [dreg:$0x2];
	[bflag:$0x3] =	sbarrier.arrive $0xFFFF;
	s2 =	simm.s32 @!p0 $0x1C01  }
0x56: {  	[timem:s3], [sflag:s2] =	dma.local @!p0 [hbm:s0], s1  }
0x57: {  	s0 =	simm.s32 @!p0 $0x1  }
0x58: {  	_ =	swait.ge @!p0 [sflag:s0], s1  }
0x59: {  	s1 =	ssub.s32 @!p0 $0x0, s1;
	[sflag:s0] =	ssyncset.done @!p0 $0x0  }
0x5a: {  	[sflag:s0] =	ssyncadd.s32 @!p0 s1  }
0x5b: {  	[bflag:$0x3] =	sbarrier.arrive $0xFFFF  }
0x5c: {  	_ =	shalt  }

// kernel: kernel.9.cloned.1.call-start
scs
__scs_entry_jumppad:
0x0: {  	(pc) =	sbr.rel $0x88, $3  }
0x1: {  	(tag) =	ssettag $0x0;
	lr =	simm.s32 $0x1  }
0x2: {  	[smem:$0x3F9D] =	sst lr;
	_ =	strace $0xD0000000  }
0x3: {  	_ = 	snop  }
0x4: {  	_ = 	snop  }
0x5: {  	_ = 	snop  }
0x6: {  	_ = 	snop  }
0x7: {  	_ = 	snop  }
__scs_overlays_trampoline_lowered:
0x8: {  	[smem:$0x3FAC] =	sst s0  }
0x9: {  	[smem:$0x3FAD] =	sst s1  }
0xa: {  	[smem:$0x3FAE] =	sst s2  }
0xb: {  	[smem:$0x3FAF] =	sst s3  }
0xc: {  	[smem:$0x3FB0] =	sst s4  }
0xd: {  	[smem:$0x3FB1] =	sst s5  }
0xe: {  	[smem:$0x3FB2] =	sst s6  }
0xf: {  	[smem:$0x3FB3] =	sst s7  }
0x10: {  	[smem:$0x3FB4] =	sst s8  }
0x11: {  	[smem:$0x3FB5] =	sst s9;
	s0 =	simm.s32 @!p0 $0x0  }
0x12: {  	s1 =	sld [smem:$0x3F9B];
	s0 =	simm.s32 @p0 $0x1  }
0x13: {  	[smem:$0x3FB6] =	sst s0;
	s0 =	simm.s32 @!p1 $0x0  }
0x14: {  	s2 =	sld [smem:$0x3F9A];
	s0 =	simm.s32 @p1 $0x1  }
0x15: {  	[smem:$0x3FB7] =	sst s0;
	s0 =	simm.s32 @!p2 $0x0  }
0x16: {  	s3 =	sld [smem:$0x3FDB];
	s0 =	simm.s32 @p2 $0x1  }
0x17: {  	s4 =	simm.s32 $0x1BF5;
	[smem:$0x3FB9] =	sst s0  }
0x18: {  	s0 =	sld [smem:$0x3F9C];
	_ =	swait.ge [sflag:s4], $0x0  }
0x19: {  	s7 =	sld [smem:$0x3F9D]  }
0x1a: {  	s8 =	sadd.s32 $0xFFFFE003, lr  }
0x1b: {  	s9 =	sadd.s32 $0xFFFFFEF7, lr;
	s5 =	simm.s32 $0xFFFFFFFF;
	p2 =	slt.u32 s8, $0xFFFFF086  }
0x1c: {  	p1 =	slt.u32 s9, $0xF7A;
	s5 =	simm.s32 @!p2 $0x0  }
0x1d: {  	s5 =	simm.s32 @p1 $0x1;
	p0 =	seq.s32 s7, s2  }
0x1e: {  	s7 =	smul.u32 @!p0 $0xF7A, s2;
	p2 =	seq.s32 @!p0 s5, $0x0  }
0x1f: {  	s9 =	smul.u32 $0xF7A, s1;
	s8 =	simm.s32 @!p0 $0x1BF5;
	p2 =	por !p2, p0  }
0x20: {  	[sflag:s8] =	ssyncset.s32 @!p0 $0xFFFFF086;
	s6 =	sadd.s32 @!p0 s3, s7;
	s7 =	simm.s32 @!p0 $0x108  }
0x21: {  	s3 =	sadd.s32 s3, s9;
	s6 =	sadd.s32 @!p0 $0x88, s6;
	s7 =	simm.s32 @p2 $0x1082  }
0x22: {  	[simem:s7], [sflag:s8] =	dma.local @!p0 [hbm:s6], $0xF7A  }
0x23: {  	s9 =	sor.u32 $0xD0000000, s2;
	s6 =	simm.s32 $0x108;
	_ =	swait.ge @!p0 [sflag:s8], $0x0  }
0x24: {  	s3 =	sadd.s32 $0x88, s3;
	s6 =	simm.s32 @!p1 $0x1082;
	[sflag:s4] =	ssyncset.s32 $0xFFFFF086  }
0x25: {  	[simem:s6], [sflag:s4] =	dma.local [hbm:s3], $0xF7A  }
0x26: {  	[smem:$0x3F9D] =	sst s1;
	(tag) =	ssettag s2;
	_ =	strace s9  }
0x27: {  	s1 =	sld [smem:$0x3FAD]  }
0x28: {  	s2 =	sld [smem:$0x3FAE]  }
0x29: {  	s4 =	sld [smem:$0x3FB0]  }
0x2a: {  	p0 =	seq.s32 s5, $0x0;
	s5 =	sld [smem:$0x3FB1]  }
0x2b: {  	s6 =	sld [smem:$0x3FB2]  }
0x2c: {  	s7 =	sld [smem:$0x3FB3]  }
0x2d: {  	s3 =	simm.s32 $0x108;
	s8 =	sld [smem:$0x3FB4]  }
0x2e: {  	s3 =	simm.s32 @!p0 $0x1082;
	s9 =	sld [smem:$0x3FB5]  }
0x2f: {  	lr =	sadd.s32 s0, s3;
	s0 =	sld [smem:$0x3FAC]  }
0x30: {  	s3 =	sld [smem:$0x3FAF]  }
0x31: {  	[smem:$0x3FB8] =	sst s10  }
0x32: {  	s10 =	sld [smem:$0x3FB6];
	_ =	sdelay $0x3  }
0x33: {  	p0 =	seq.s32 s10, $0x1;
	s10 =	sld [smem:$0x3FB8];
	_ =	sdelay $0x3  }
0x34: {  	[smem:$0x3FB8] =	sst s10  }
0x35: {  	s10 =	sld [smem:$0x3FB7];
	_ =	sdelay $0x3  }
0x36: {  	p1 =	seq.s32 s10, $0x1;
	s10 =	sld [smem:$0x3FB8];
	_ =	sdelay $0x3  }
0x37: {  	[smem:$0x3FB8] =	sst s10  }
0x38: {  	s10 =	sld [smem:$0x3FB9]  }
0x39: {  	_ = 	snop;
	(pc) =	sbr.ind lr, $3  }
0x3a: {  	_ = 	snop  }
0x3b: {  	_ = 	snop  }
0x3c: {  	p2 =	seq.s32 s10, $0x1;
	s10 =	sld [smem:$0x3FB8]  }
0x3d: {  	_ =	shalt  }
0x3e: {  	_ =	shalt  }
0x3f: {  	_ =	shalt  }
0x40: {  	_ =	shalt  }
0x41: {  	_ =	shalt  }
0x42: {  	_ =	shalt  }
0x43: {  	_ =	shalt  }
0x44: {  	_ =	shalt  }
0x45: {  	_ =	shalt  }
0x46: {  	_ =	shalt  }
0x47: {  	_ =	shalt  }
0x48: {  	_ =	shalt  }
0x49: {  	_ =	shalt  }
0x4a: {  	_ =	shalt  }
0x4b: {  	_ =	shalt  }
0x4c: {  	_ =	shalt  }
0x4d: {  	_ =	shalt  }
0x4e: {  	_ =	shalt  }
0x4f: {  	_ =	shalt  }
0x50: {  	_ =	shalt  }
0x51: {  	_ =	shalt  }
0x52: {  	_ =	shalt  }
0x53: {  	_ =	shalt  }
0x54: {  	_ =	shalt  }
0x55: {  	_ =	shalt  }
0x56: {  	_ =	shalt  }
0x57: {  	_ =	shalt  }
0x58: {  	_ =	shalt  }
0x59: {  	_ =	shalt  }
0x5a: {  	_ =	shalt  }
0x5b: {  	_ =	shalt  }
0x5c: {  	_ =	shalt  }
0x5d: {  	_ =	shalt  }
0x5e: {  	_ =	shalt  }
0x5f: {  	_ =	shalt  }
0x60: {  	_ =	shalt  }
0x61: {  	_ =	shalt  }
0x62: {  	_ =	shalt  }
0x63: {  	_ =	shalt  }
0x64: {  	_ =	shalt  }
0x65: {  	_ =	shalt  }
0x66: {  	_ =	shalt  }
0x67: {  	_ =	shalt  }
0x68: {  	_ =	shalt  }
0x69: {  	_ =	shalt  }
0x6a: {  	_ =	shalt  }
0x6b: {  	_ =	shalt  }
0x6c: {  	_ =	shalt  }
0x6d: {  	_ =	shalt  }
0x6e: {  	_ =	shalt  }
0x6f: {  	_ =	shalt  }
0x70: {  	_ =	shalt  }
0x71: {  	_ =	shalt  }
0x72: {  	_ =	shalt  }
0x73: {  	_ =	shalt  }
0x74: {  	_ =	shalt  }
0x75: {  	_ =	shalt  }
0x76: {  	_ =	shalt  }
0x77: {  	_ =	shalt  }
0x78: {  	_ =	shalt  }
0x79: {  	_ =	shalt  }
0x7a: {  	_ =	shalt  }
0x7b: {  	_ =	shalt  }
0x7c: {  	_ =	shalt  }
0x7d: {  	_ =	shalt  }
0x7e: {  	_ =	shalt  }
0x7f: {  	_ =	shalt  }
0x80: {  	_ =	shalt  }
0x81: {  	_ =	shalt  }
0x82: {  	_ =	shalt  }
0x83: {  	_ =	shalt  }
0x84: {  	_ =	shalt  }
0x85: {  	_ =	shalt  }
0x86: {  	_ =	shalt  }
0x87: {  	_ =	shalt  }
.Lfunc_end0:
.L_simem_size_0:
called_computation.1_lowered:
.L_overlay_start_0:
0x88: {  	s2 =	sld [smem:$0x3FD9]  }
0x89: {  	s3 =	sld [smem:$0x3FFE];
	_ =	sdelay $0x1  }
0x8a: {  	s1 =	srdreg.scid  }
0x8b: {  	s0 =	sand.u32 $0x1, s1  }
0x8c: {  	s17 =	sshll.u32 s0, $0xA;
	s2 =	sadd.s32 s3, s2  }
0x8d: {  	s2 =	sadd.s32 s2, s17  }
0x8e: {  	[smem:$0x3FC4] =	sst s2  }
0x8f: {  	_ = 	snop  }
0x90: {  	s2 =	sld [smem:$0x3FD0];
	(tm) =	ssettm $0x1  }
0x91: {  	s18 =	sld [smem:$0x3FFB];
	_ =	sdelay $0x3  }
0x92: {  	_ =	strace s18  }
0x93: {  	s3 =	sld [smem:$0x3FFC];
	_ =	sdelay $0x3  }
0x94: {  	_ =	strace s3  }
0x95: {  	s3 =	sld [smem:$0x3FFD];
	_ =	sdelay $0x3  }
0x96: {  	_ =	strace s3  }
0x97: {  	_ =	strace $0x8FFFFFFF  }
0x98: {  	s19 =	sld [smem:$0x3FDB];
	_ =	sdelay $0x1  }
0x99: {  	s4 =	simm.s32 $_scs_section_size  }
0x9a: {  	s5 =	simm.s32 $_size__tile_overlayer_lowered;
	s6 =	simm.s32 $_tile_overlayer_lowered  }
0x9b: {  	s22 =	simm.s32 $0x1BFF;
	s21 =	sshll.u32 s6, $0x1;
	s3 =	sadd.s32 s4, s19  }
0x9c: {  	s7 =	simm.s32 $0x0;
	s20 =	sshll.u32 s5, $0x1;
	s5 =	sadd.s32 s21, s3  }
0x9d: {  	[timem:s7], [sflag:s22] =	dma.local [hbm:s5], s20  }
0x9e: {  	_ =	swait.ge [sflag:s22], s20  }
0x9f: {  	s4 =	ssub.s32 $0x0, s20;
	[sflag:s22] =	ssyncset.done $0x0  }
0xa0: {  	[sflag:s22] =	ssyncadd.s32 s4;
	_ =	sdelay $0x1  }
0xa1: {  	s23 =	simm.s32 $0x1B8B  }
0xa2: {  	_ =	swait.ge [sflag:s23], $0x1  }
0xa3: {  	[sflag:s23] =	ssyncset.done $0x0  }
0xa4: {  	s25 =	simm.s32 $0x1B8E;
	s24 =	sld [smem:$0x3FFE];
	[sflag:s23] =	ssyncadd.s32 $0xFFFFFFFF  }
0xa5: {  	s26 =	simm.s32 $execute0_lowered;
	[smem:$0x3FD2] =	sst s25  }
0xa6: {  	s5 =	sshll.u32 s26, $0x1;
	_ =	strace $0x80000049;
	[dreg:$0x1] =	wrdreg $0xFFFFFFFF  }
0xa7: {  	s28 =	simm.s32 $_size_execute0_lowered;
	s3 =	sadd.s32 s3, s5;
	[dreg:$0x0] =	wrdreg $0x0  }
0xa8: {  	s5 =	sshll.u32 s28, $0x1;
	[dreg:$0x2] =	wrdreg s3  }
0xa9: {  	[dreg:$0x3] =	wrdreg s5  }
0xaa: {  	[dreg:$0x4] =	wrdreg $0xC0  }
0xab: {  	_ =	task [dreg:s7], $0x5FFFF  }
0xac: {  	[dreg:$0x1] =	wrdreg $0xFFFFFFFF  }
0xad: {  	[dreg:$0x0] =	wrdreg $0x60  }
0xae: {  	[dreg:$0x2] =	wrdreg s24  }
0xaf: {  	[dreg:$0x3] =	wrdreg s2  }
0xb0: {  	[dreg:$0x4] =	wrdreg $0x90000  }
0xb1: {  	[dreg:$0x5] =	wrdreg $0x9  }
0xb2: {  	_ =	task.clear_ibuf [dreg:s7], $0x6FFFF;
	_ =	strace $0x90000049  }
0xb3: {  	s29 =	simm.s32 $0x9;
	_ =	strace $0x8000004B  }
0xb4: {  	_ =	swait.ge [sflag:s29], $0x1  }
0xb5: {  	[sflag:s29] =	ssyncadd.s32 $0xFFFFFFFF  }
0xb6: {  	_ =	strace $0x9000004B  }
0xb7: {  	_ =	sfence  }
0xb8: {  	s30 =	sld [smem:$0x0];
	_ =	sdelay $0x2  }
0xb9: {  	s31 =	sshll.u32 s1, $0xD;
	s1 =	sshrl.u32 s1, $0x2  }
0xba: {  	s3 =	sand.u32 $0x4000, s31;
	s1 =	sadd.s32 s1, s30  }
0xbb: {  	s0 =	sor.u32 s3, s0;
	s1 =	sshll.u32 s1, $0x11  }
0xbc: {  	s0 =	sor.u32 s1, s0  }
0xbd: {  	s0 =	sadd.s32 $0x8F2B, s0  }
0xbe: {  	[sflag:s0] =	ssyncadd.remote.s32 $0x1  }
0xbf: {  	_ =	sfence.sel $0xFFFF  }
0xc0: {  	[dreg:$0x0] =	wrdreg $0xFFFFFFFF;
	(pc) =	sbr.abs _section_cstart, $3  }
0xc1: {  	[dreg:$0x1] =	wrdreg $0xFFFFFFFF  }
0xc2: {  	_ =	task.clear_ibuf [dreg:s7], $0x2FFFF;
	_ =	strace $0x9FFFFFFF  }
0xc3: {  	(tm) =	ssettm $0x7FFFFFFF  }
tec
execute0_lowered:
.L_overlay_start_1:
0x0: {  	(tag) =	ssettag $0x1  }
0x1: {  	s0 =	rddreg [dreg:$0x0]  }
0x2: {  	s1 =	rddreg [dreg:$0x1]  }
0x3: {  	s2 =	rddreg [dreg:$0x2];
	s10 =	stileid.u32  }
0x4: {  	s4 =	srdreg.scid;
	s3 =	simm.s32 $0x0;
	s12 =	simm.s32 $0x180  }
0x5: {  	s14 =	simm.s32 $0x900;
	s16 =	simm.s32 $0x200;
	s18 =	simm.s32 $0x980  }
0x6: {  	s19 =	simm.s32 $0x280;
	s20 =	simm.s32 $0xA00;
	s21 =	simm.s32 $0x300  }
0x7: {  	s28 =	simm.s32 $0x600;
	s29 =	simm.s32 $0xD80;
	[smem:$0x7FF] =	sst s3  }
0x8: {  	s30 =	simm.s32 $0x680;
	_ =	strace $0x8000004A;
	[dreg:$0x8] =	wrdreg s12  }
0x9: {  	s31 =	simm.s32 $0xE00;
	s5 =	smul.u32 $0x500, s10;
	[dreg:$0x9] =	wrdreg s14  }
0xa: {  	s6 =	sand.u32 $0x1, s4;
	s8 =	smul.u32 $0x2800, s10;
	[dreg:$0xa] =	wrdreg s16  }
0xb: {  	s4 =	sadd.s32 $0x56400, s0;
	s10 =	smul.u32 $0x50000, s10;
	[dreg:$0xb] =	wrdreg s18  }
0xc: {  	s7 =	smul.u32 $0x28000, s6;
	s9 =	ssub.s32 $0x2, s6;
	[dreg:$0xc] =	wrdreg s19  }
0xd: {  	s6 =	smul.u32 $0x5000, s6;
	s12 =	simm.s32 $0x1000;
	[dreg:$0xd] =	wrdreg s20  }
0xe: {  	s14 =	simm.s32 $0x800;
	[dreg:$0xe] =	wrdreg s21;
	s16 =	simm.s32 $0x5000  }
0xf: {  	s18 =	simm.s32 $0x3;
	s19 =	simm.s32 $0x2;
	s20 =	simm.s32 $0x4  }
0x10: {  	s11 =	sadd.s32 s5, s0;
	s24 =	sshrl.u32 s10, $0x2;
	s10 =	simm.s32 $0x880  }
0x11: {  	s21 =	simm.s32 $0x480;
	s25 =	sadd.s32 $0x1400, s11;
	[dreg:$0x7] =	wrdreg s10  }
0x12: {  	s7 =	sadd.s32 s8, s7;
	s8 =	simm.s32 $0x100;
	[dreg:$0x4] =	wrdreg s25  }
0x13: {  	s22 =	sshrl.u32 s9, $0x1;
	s26 =	sadd.s32 s24, s2;
	[dreg:$0x6] =	wrdreg s8  }
0x14: {  	s23 =	ssub.s32 s9, s22;
	s22 =	simm.s32 $0xA80;
	[dreg:$0x14] =	wrdreg s26  }
0x15: {  	s1 =	sadd.s32 s6, s1;
	s24 =	simm.s32 $0xB00;
	[dreg:$0xf] =	wrdreg s22  }
0x16: {  	s6 =	simm.s32 $0x780;
	s1 =	sadd.s32 s5, s1;
	[dreg:$0x11] =	wrdreg s24  }
0x17: {  	s0 =	sadd.s32 s7, s0;
	s9 =	smax.u32 s23, $0x1;
	[dreg:$0x5] =	wrdreg s1  }
0x18: {  	s11 =	sadd.s32 $0x4000, s26;
	s13 =	sadd.s32 $0x8000, s26;
	[dreg:$0x16] =	wrdreg s9  }
0x19: {  	s15 =	sadd.s32 $0xC000, s26;
	s17 =	sadd.s32 $0x10000, s26;
	[dreg:$0x17] =	wrdreg s11  }
0x1a: {  	s23 =	simm.s32 $0x380;
	s25 =	simm.s32 $0x400;
	[dreg:$0x18] =	wrdreg s13  }
0x1b: {  	s26 =	simm.s32 $0xB80;
	s22 =	simm.s32 $0xC00;
	[dreg:$0x19] =	wrdreg s15  }
0x1c: {  	s24 =	simm.s32 $0xC80;
	s7 =	simm.s32 $0xF00;
	[dreg:$0x1a] =	wrdreg s17  }
0x1d: {  	s8 =	simm.s32 $0xF80;
	s0 =	sadd.s32 $0xA6400, s0;
	[dreg:$0x10] =	wrdreg s23  }
0x1e: {  	s13 =	simm.s32 $0x5;
	s15 =	simm.s32 $0x80;
	[dreg:$0x12] =	wrdreg s25  }
0x1f: {  	s17 =	simm.s32 $0x1;
	[dreg:$0x13] =	wrdreg s26;
	s23 =	simm.s32 $0x500  }
0x20: {  	s25 =	simm.s32 $0x580;
	s26 =	simm.s32 $0xD00;
	s1 =	simm.s32 $0xE80  }
0x21: {  	v0 =	vimm.f32 $0.0e+00;
	s9 =	simm.s32 $0x0;
	[dreg:$0x15] =	wrdreg s0;
	s0 =	simm.s32 $0x700  }
.LBB2_1:
0x22: {  	s10 =	simm.s32 $0x0;
	s11 =	simm.s32 $0x200  }
.LBB2_2:
0x23: {  	p0 =	sne.s32 s11, $0xFE00;
	[tilespmem:s10+$0x1070] =	vst v0  }
0x24: {  	[tilespmem:s10+$0x1000] =	vst v0  }
0x25: {  	[tilespmem:s10+$0x1010] =	vst v0  }
.Ltmp0:
0x26: {  	[tilespmem:s10+$0x1020] =	vst v0;
	(pc) =	sbr.rel @p0 .LBB2_2-.Ltmp0, $4  }
0x27: {  	[tilespmem:s10+$0x1030] =	vst v0  }
0x28: {  	[tilespmem:s10+$0x1040] =	vst v0  }
0x29: {  	[tilespmem:s10+$0x1050] =	vst v0  }
0x2a: {  	[tilespmem:s10+$0x1060] =	vst v0;
	s10 =	sshra.s32 s11, $0x2;
	s11 =	sadd.s32 $0x200, s11  }
0x2b: {  	[tilespmem:s10+$0x1070] =	vst v0  }
0x2c: {  	[tilespmem:s10+$0x1000] =	vst v0  }
0x2d: {  	[tilespmem:s10+$0x1010] =	vst v0  }
0x2e: {  	[tilespmem:s10+$0x1020] =	vst v0  }
0x2f: {  	[tilespmem:s10+$0x1030] =	vst v0  }
0x30: {  	[tilespmem:s10+$0x1040] =	vst v0  }
0x31: {  	[dreg:$0x1b] =	wrdreg s9;
	[tilespmem:s10+$0x1050] =	vst v0  }
0x32: {  	[tilespmem:s10+$0x1060] =	vst v0;
	s5 =	rddreg [dreg:$0x14]  }
0x33: {  	[spmem:s5] =	stream.linear.scatter [tilespmem:s12], [sflag:$0x5], $0x4000, $0x38;
	[tilespmem:$0x1D000] =	vst v63  }
0x34: {  	_ =	swait.ge [sflag:s13], $0x4000  }
0x35: {  	[sflag:s13] =	ssyncset.done $0x0  }
0x36: {  	s10 =	rddreg [dreg:$0x17];
	[sflag:s13] =	ssyncadd.s32 $0xFFFFC000  }
0x37: {  	[spmem:s10] =	stream.linear.scatter [tilespmem:s12], [sflag:$0x5], $0x4000, $0x38;
	[tilespmem:$0x1D000] =	vst v63  }
0x38: {  	_ =	swait.ge [sflag:s13], $0x4000  }
0x39: {  	[sflag:s13] =	ssyncset.done $0x0  }
0x3a: {  	s11 =	rddreg [dreg:$0x18];
	[sflag:s13] =	ssyncadd.s32 $0xFFFFC000  }
0x3b: {  	[spmem:s11] =	stream.linear.scatter [tilespmem:s12], [sflag:$0x5], $0x4000, $0x38;
	[tilespmem:$0x1D000] =	vst v63  }
0x3c: {  	_ =	swait.ge [sflag:s13], $0x4000  }
0x3d: {  	[sflag:s13] =	ssyncset.done $0x0  }
0x3e: {  	s9 =	rddreg [dreg:$0x19];
	[sflag:s13] =	ssyncadd.s32 $0xFFFFC000  }
0x3f: {  	[spmem:s9] =	stream.linear.scatter [tilespmem:s12], [sflag:$0x5], $0x4000, $0x38;
	[tilespmem:$0x1D000] =	vst v63  }
0x40: {  	_ =	swait.ge [sflag:s13], $0x4000  }
0x41: {  	[sflag:s13] =	ssyncset.done $0x0  }
0x42: {  	s10 =	rddreg [dreg:$0x1a];
	[sflag:s13] =	ssyncadd.s32 $0xFFFFC000  }
0x43: {  	[spmem:s10] =	stream.linear.scatter [tilespmem:s12], [sflag:$0x5], $0x4000, $0x38;
	[tilespmem:$0x1D000] =	vst v63  }
0x44: {  	_ =	swait.ge [sflag:s13], $0x4000  }
0x45: {  	[sflag:s13] =	ssyncset.done $0x0  }
0x46: {  	[sflag:s13] =	ssyncadd.s32 $0xFFFFC000  }
0x47: {  	[bflag:$0x0] =	sbarrier.arrive $0xFFFF  }
0x48: {  	s11 =	rddreg [dreg:$0x5]  }
0x49: {  	s5 =	sadd.s32 $0x0, s11  }
0x4a: {  	[tilespmem:s3], [sflag:$0x5] =	stream.linear.gather [hbm4b:s5+s3], $0x800, $0x38;
	[tilespmem:$0x1D000] =	vst v63  }
0x4b: {  	_ =	swait.ge [sflag:s13], $0x800  }
0x4c: {  	s9 =	rddreg [dreg:$0x4];
	[sflag:s13] =	ssyncset.done $0x0  }
0x4d: {  	[sflag:s13] =	ssyncadd.s32 $0xFFFFF800;
	s5 =	sadd.s32 $0x0, s9  }
0x4e: {  	[tilespmem:s14], [sflag:$0x5] =	stream.linear.gather [hbm4b:s5+s3], $0x800, $0x38;
	[tilespmem:$0x1D000] =	vst v63  }
0x4f: {  	_ =	swait.ge [sflag:s13], $0x800  }
0x50: {  	[sflag:s13] =	ssyncset.done $0x0  }
0x51: {  	[sflag:s13] =	ssyncadd.s32 $0xFFFFF800  }
0x52: {  	[tilespmem:s12], [sflag:$0x1] =	stream.indirect.gather [hbm4b:s4+s15], $0x80, s3, s15, $0xb8;
	[tilespmem:$0x1D000] =	vst v63  }
0x53: {  	_ = 	snop  }
0x54: {  	[tilespmem:s16], [sflag:$0x2] =	stream.indirect.gather [hbm4b:s4+s15], $0x80, s15, s15, $0xb8;
	[tilespmem:$0x1D000] =	vst v63  }
0x55: {  	_ =	swait.ge [sflag:s17], $0x4000  }
0x56: {  	[sflag:s17] =	ssyncset.done $0x0  }
0x57: {  	[sflag:s17] =	ssyncadd.s32 $0xFFFFC000  }
0x58: {  	[spmem:s2] =	stream.indirect.scatter.add.f32 [tilespmem:s12], [sflag:$0x3], $0x80, s14, s15, $0xb8;
	[tilespmem:$0x1D000] =	vst v63  }
0x59: {  	_ =	swait.ge [sflag:s18], $0x4000  }
0x5a: {  	[sflag:s18] =	ssyncset.done $0x0  }
0x5b: {  	s10 =	rddreg [dreg:$0x6];
	[sflag:s18] =	ssyncadd.s32 $0xFFFFC000  }
0x5c: {  	[tilespmem:s12], [sflag:$0x1] =	stream.indirect.gather [hbm4b:s4+s15], $0x80, s10, s15, $0xb8;
	[tilespmem:$0x1D000] =	vst v63  }
0x5d: {  	_ =	swait.ge [sflag:s19], $0x4000  }
0x5e: {  	[sflag:s19] =	ssyncset.done $0x0  }
0x5f: {  	s11 =	rddreg [dreg:$0x7];
	[sflag:s19] =	ssyncadd.s32 $0xFFFFC000  }
0x60: {  	[spmem:s2] =	stream.indirect.scatter.add.f32 [tilespmem:s16], [sflag:$0x4], $0x80, s11, s15, $0xb8;
	[tilespmem:$0x1D000] =	vst v63  }
0x61: {  	_ =	swait.ge [sflag:s20], $0x4000  }
0x62: {  	[sflag:s20] =	ssyncset.done $0x0  }
0x63: {  	s9 =	rddreg [dreg:$0x8];
	[sflag:s20] =	ssyncadd.s32 $0xFFFFC000  }
0x64: {  	[tilespmem:s16], [sflag:$0x2] =	stream.indirect.gather [hbm4b:s4+s15], $0x80, s9, s15, $0xb8;
	[tilespmem:$0x1D000] =	vst v63  }
0x65: {  	_ =	swait.ge [sflag:s17], $0x4000  }
0x66: {  	[sflag:s17] =	ssyncset.done $0x0  }
0x67: {  	s10 =	rddreg [dreg:$0x9];
	[sflag:s17] =	ssyncadd.s32 $0xFFFFC000  }
0x68: {  	[spmem:s2] =	stream.indirect.scatter.add.f32 [tilespmem:s12], [sflag:$0x3], $0x80, s10, s15, $0xb8;
	[tilespmem:$0x1D000] =	vst v63  }
0x69: {  	_ =	swait.ge [sflag:s18], $0x4000  }
0x6a: {  	[sflag:s18] =	ssyncset.done $0x0  }
0x6b: {  	s11 =	rddreg [dreg:$0xa];
	[sflag:s18] =	ssyncadd.s32 $0xFFFFC000  }
0x6c: {  	[tilespmem:s12], [sflag:$0x1] =	stream.indirect.gather [hbm4b:s4+s15], $0x80, s11, s15, $0xb8;
	[tilespmem:$0x1D000] =	vst v63  }
0x6d: {  	_ =	swait.ge [sflag:s19], $0x4000  }
0x6e: {  	[sflag:s19] =	ssyncset.done $0x0  }
0x6f: {  	s9 =	rddreg [dreg:$0xb];
	[sflag:s19] =	ssyncadd.s32 $0xFFFFC000  }
0x70: {  	[spmem:s2] =	stream.indirect.scatter.add.f32 [tilespmem:s16], [sflag:$0x4], $0x80, s9, s15, $0xb8;
	[tilespmem:$0x1D000] =	vst v63  }
0x71: {  	_ =	swait.ge [sflag:s20], $0x4000  }
0x72: {  	[sflag:s20] =	ssyncset.done $0x0  }
0x73: {  	s10 =	rddreg [dreg:$0xc];
	[sflag:s20] =	ssyncadd.s32 $0xFFFFC000  }
0x74: {  	[tilespmem:s16], [sflag:$0x2] =	stream.indirect.gather [hbm4b:s4+s15], $0x80, s10, s15, $0xb8;
	[tilespmem:$0x1D000] =	vst v63  }
0x75: {  	_ =	swait.ge [sflag:s17], $0x4000  }
0x76: {  	[sflag:s17] =	ssyncset.done $0x0  }
0x77: {  	s11 =	rddreg [dreg:$0xd];
	[sflag:s17] =	ssyncadd.s32 $0xFFFFC000  }
0x78: {  	[spmem:s2] =	stream.indirect.scatter.add.f32 [tilespmem:s12], [sflag:$0x3], $0x80, s11, s15, $0xb8;
	[tilespmem:$0x1D000] =	vst v63  }
0x79: {  	_ =	swait.ge [sflag:s18], $0x4000  }
0x7a: {  	[sflag:s18] =	ssyncset.done $0x0  }
0x7b: {  	s9 =	rddreg [dreg:$0xe];
	[sflag:s18] =	ssyncadd.s32 $0xFFFFC000  }
0x7c: {  	[tilespmem:s12], [sflag:$0x1] =	stream.indirect.gather [hbm4b:s4+s15], $0x80, s9, s15, $0xb8;
	[tilespmem:$0x1D000] =	vst v63  }
0x7d: {  	_ =	swait.ge [sflag:s19], $0x4000  }
0x7e: {  	[sflag:s19] =	ssyncset.done $0x0  }
0x7f: {  	s10 =	rddreg [dreg:$0xf];
	[sflag:s19] =	ssyncadd.s32 $0xFFFFC000  }
0x80: {  	[spmem:s2] =	stream.indirect.scatter.add.f32 [tilespmem:s16], [sflag:$0x4], $0x80, s10, s15, $0xb8;
	[tilespmem:$0x1D000] =	vst v63  }
0x81: {  	_ =	swait.ge [sflag:s20], $0x4000  }
0x82: {  	[sflag:s20] =	ssyncset.done $0x0  }
0x83: {  	s11 =	rddreg [dreg:$0x10];
	[sflag:s20] =	ssyncadd.s32 $0xFFFFC000  }
0x84: {  	[tilespmem:s16], [sflag:$0x2] =	stream.indirect.gather [hbm4b:s4+s15], $0x80, s11, s15, $0xb8;
	[tilespmem:$0x1D000] =	vst v63  }
0x85: {  	_ =	swait.ge [sflag:s17], $0x4000  }
0x86: {  	[sflag:s17] =	ssyncset.done $0x0  }
0x87: {  	s9 =	rddreg [dreg:$0x11];
	[sflag:s17] =	ssyncadd.s32 $0xFFFFC000  }
0x88: {  	[spmem:s2] =	stream.indirect.scatter.add.f32 [tilespmem:s12], [sflag:$0x3], $0x80, s9, s15, $0xb8;
	[tilespmem:$0x1D000] =	vst v63  }
0x89: {  	_ =	swait.ge [sflag:s18], $0x4000  }
0x8a: {  	[sflag:s18] =	ssyncset.done $0x0  }
0x8b: {  	s10 =	rddreg [dreg:$0x12];
	[sflag:s18] =	ssyncadd.s32 $0xFFFFC000  }
0x8c: {  	[tilespmem:s12], [sflag:$0x1] =	stream.indirect.gather [hbm4b:s4+s15], $0x80, s10, s15, $0xb8;
	[tilespmem:$0x1D000] =	vst v63  }
0x8d: {  	_ =	swait.ge [sflag:s19], $0x4000  }
0x8e: {  	[sflag:s19] =	ssyncset.done $0x0  }
0x8f: {  	s11 =	rddreg [dreg:$0x13];
	[sflag:s19] =	ssyncadd.s32 $0xFFFFC000  }
0x90: {  	[spmem:s2] =	stream.indirect.scatter.add.f32 [tilespmem:s16], [sflag:$0x4], $0x80, s11, s15, $0xb8;
	[tilespmem:$0x1D000] =	vst v63  }
0x91: {  	_ =	swait.ge [sflag:s20], $0x4000  }
0x92: {  	[sflag:s20] =	ssyncset.done $0x0  }
0x93: {  	[sflag:s20] =	ssyncadd.s32 $0xFFFFC000  }
0x94: {  	[tilespmem:s16], [sflag:$0x2] =	stream.indirect.gather [hbm4b:s4+s15], $0x80, s21, s15, $0xb8;
	[tilespmem:$0x1D000] =	vst v63  }
0x95: {  	_ =	swait.ge [sflag:s17], $0x4000  }
0x96: {  	[sflag:s17] =	ssyncset.done $0x0  }
0x97: {  	[sflag:s17] =	ssyncadd.s32 $0xFFFFC000  }
0x98: {  	[spmem:s2] =	stream.indirect.scatter.add.f32 [tilespmem:s12], [sflag:$0x3], $0x80, s22, s15, $0xb8;
	[tilespmem:$0x1D000] =	vst v63  }
0x99: {  	_ =	swait.ge [sflag:s18], $0x4000  }
0x9a: {  	[sflag:s18] =	ssyncset.done $0x0  }
0x9b: {  	[sflag:s18] =	ssyncadd.s32 $0xFFFFC000  }
0x9c: {  	[tilespmem:s12], [sflag:$0x1] =	stream.indirect.gather [hbm4b:s4+s15], $0x80, s23, s15, $0xb8;
	[tilespmem:$0x1D000] =	vst v63  }
0x9d: {  	_ =	swait.ge [sflag:s19], $0x4000  }
0x9e: {  	[sflag:s19] =	ssyncset.done $0x0  }
0x9f: {  	[sflag:s19] =	ssyncadd.s32 $0xFFFFC000  }
0xa0: {  	[spmem:s2] =	stream.indirect.scatter.add.f32 [tilespmem:s16], [sflag:$0x4], $0x80, s24, s15, $0xb8;
	[tilespmem:$0x1D000] =	vst v63  }
0xa1: {  	_ =	swait.ge [sflag:s20], $0x4000  }
0xa2: {  	[sflag:s20] =	ssyncset.done $0x0  }
0xa3: {  	[sflag:s20] =	ssyncadd.s32 $0xFFFFC000  }
0xa4: {  	[tilespmem:s16], [sflag:$0x2] =	stream.indirect.gather [hbm4b:s4+s15], $0x80, s25, s15, $0xb8;
	[tilespmem:$0x1D000] =	vst v63  }
0xa5: {  	_ =	swait.ge [sflag:s17], $0x4000  }
0xa6: {  	[sflag:s17] =	ssyncset.done $0x0  }
0xa7: {  	[sflag:s17] =	ssyncadd.s32 $0xFFFFC000  }
0xa8: {  	[spmem:s2] =	stream.indirect.scatter.add.f32 [tilespmem:s12], [sflag:$0x3], $0x80, s26, s15, $0xb8;
	[tilespmem:$0x1D000] =	vst v63  }
0xa9: {  	_ =	swait.ge [sflag:s18], $0x4000  }
0xaa: {  	[sflag:s18] =	ssyncset.done $0x0  }
0xab: {  	[sflag:s18] =	ssyncadd.s32 $0xFFFFC000  }
0xac: {  	[tilespmem:s12], [sflag:$0x1] =	stream.indirect.gather [hbm4b:s4+s15], $0x80, s28, s15, $0xb8;
	[tilespmem:$0x1D000] =	vst v63  }
0xad: {  	_ =	swait.ge [sflag:s19], $0x4000  }
0xae: {  	[sflag:s19] =	ssyncset.done $0x0  }
0xaf: {  	[sflag:s19] =	ssyncadd.s32 $0xFFFFC000  }
0xb0: {  	[spmem:s2] =	stream.indirect.scatter.add.f32 [tilespmem:s16], [sflag:$0x4], $0x80, s29, s15, $0xb8;
	[tilespmem:$0x1D000] =	vst v63  }
0xb1: {  	_ =	swait.ge [sflag:s20], $0x4000  }
0xb2: {  	[sflag:s20] =	ssyncset.done $0x0  }
0xb3: {  	[sflag:s20] =	ssyncadd.s32 $0xFFFFC000  }
0xb4: {  	[tilespmem:s16], [sflag:$0x2] =	stream.indirect.gather [hbm4b:s4+s15], $0x80, s30, s15, $0xb8;
	[tilespmem:$0x1D000] =	vst v63  }
0xb5: {  	_ =	swait.ge [sflag:s17], $0x4000  }
0xb6: {  	[sflag:s17] =	ssyncset.done $0x0  }
0xb7: {  	[sflag:s17] =	ssyncadd.s32 $0xFFFFC000  }
0xb8: {  	[spmem:s2] =	stream.indirect.scatter.add.f32 [tilespmem:s12], [sflag:$0x3], $0x80, s31, s15, $0xb8;
	[tilespmem:$0x1D000] =	vst v63  }
0xb9: {  	_ =	swait.ge [sflag:s18], $0x4000  }
0xba: {  	[sflag:s18] =	ssyncset.done $0x0  }
0xbb: {  	[sflag:s18] =	ssyncadd.s32 $0xFFFFC000  }
0xbc: {  	[tilespmem:s12], [sflag:$0x1] =	stream.indirect.gather [hbm4b:s4+s15], $0x80, s0, s15, $0xb8;
	[tilespmem:$0x1D000] =	vst v63  }
0xbd: {  	_ =	swait.ge [sflag:s19], $0x4000  }
0xbe: {  	[sflag:s19] =	ssyncset.done $0x0  }
0xbf: {  	[sflag:s19] =	ssyncadd.s32 $0xFFFFC000  }
0xc0: {  	[spmem:s2] =	stream.indirect.scatter.add.f32 [tilespmem:s16], [sflag:$0x4], $0x80, s1, s15, $0xb8;
	[tilespmem:$0x1D000] =	vst v63  }
0xc1: {  	_ =	swait.ge [sflag:s20], $0x4000  }
0xc2: {  	[sflag:s20] =	ssyncset.done $0x0  }
0xc3: {  	[sflag:s20] =	ssyncadd.s32 $0xFFFFC000  }
0xc4: {  	[tilespmem:s16], [sflag:$0x2] =	stream.indirect.gather [hbm4b:s4+s15], $0x80, s6, s15, $0xb8;
	[tilespmem:$0x1D000] =	vst v63  }
0xc5: {  	_ =	swait.ge [sflag:s17], $0x4000  }
0xc6: {  	[sflag:s17] =	ssyncset.done $0x0  }
0xc7: {  	[sflag:s17] =	ssyncadd.s32 $0xFFFFC000  }
0xc8: {  	[spmem:s2] =	stream.indirect.scatter.add.f32 [tilespmem:s12], [sflag:$0x3], $0x80, s7, s15, $0xb8;
	[tilespmem:$0x1D000] =	vst v63  }
0xc9: {  	_ =	swait.ge [sflag:s19], $0x4000  }
0xca: {  	[sflag:s19] =	ssyncset.done $0x0  }
0xcb: {  	[sflag:s19] =	ssyncadd.s32 $0xFFFFC000  }
0xcc: {  	[spmem:s2] =	stream.indirect.scatter.add.f32 [tilespmem:s16], [sflag:$0x4], $0x80, s8, s15, $0xb8;
	[tilespmem:$0x1D000] =	vst v63  }
0xcd: {  	_ =	swait.ge [sflag:s18], $0x4000  }
0xce: {  	[sflag:s18] =	ssyncset.done $0x0  }
0xcf: {  	[sflag:s18] =	ssyncadd.s32 $0xFFFFC000  }
0xd0: {  	s10 =	simm.s32 $0x100;
	_ =	swait.ge [sflag:s20], $0x4000  }
0xd1: {  	s11 =	simm.s32 $0x200;
	s5 =	rddreg [dreg:$0x5];
	[sflag:s20] =	ssyncset.done $0x0  }
.LBB2_4:
0xd2: {  	[sflag:s20] =	ssyncadd.s32 $0xFFFFC000;
	s5 =	sadd.s32 s10, s5  }
0xd3: {  	[tilespmem:s3], [sflag:$0x5] =	stream.linear.gather [hbm4b:s5+s3], $0x800, $0x38;
	[tilespmem:$0x1D000] =	vst v63  }
0xd4: {  	_ =	swait.ge [sflag:s13], $0x800  }
0xd5: {  	s5 =	rddreg [dreg:$0x4];
	[sflag:s13] =	ssyncset.done $0x0  }
0xd6: {  	[sflag:s13] =	ssyncadd.s32 $0xFFFFF800;
	s5 =	sadd.s32 s10, s5  }
0xd7: {  	[tilespmem:s14], [sflag:$0x5] =	stream.linear.gather [hbm4b:s5+s3], $0x800, $0x38;
	[tilespmem:$0x1D000] =	vst v63  }
0xd8: {  	_ =	swait.ge [sflag:s13], $0x800  }
0xd9: {  	[sflag:s13] =	ssyncset.done $0x0  }
0xda: {  	[sflag:s13] =	ssyncadd.s32 $0xFFFFF800  }
0xdb: {  	[tilespmem:s12], [sflag:$0x1] =	stream.indirect.gather [hbm4b:s4+s15], $0x80, s3, s15, $0xb8;
	[tilespmem:$0x1D000] =	vst v63  }
0xdc: {  	_ = 	snop  }
0xdd: {  	[tilespmem:s16], [sflag:$0x2] =	stream.indirect.gather [hbm4b:s4+s15], $0x80, s15, s15, $0xb8;
	[tilespmem:$0x1D000] =	vst v63  }
0xde: {  	_ =	swait.ge [sflag:s17], $0x4000  }
0xdf: {  	[sflag:s17] =	ssyncset.done $0x0  }
0xe0: {  	[sflag:s17] =	ssyncadd.s32 $0xFFFFC000  }
0xe1: {  	[spmem:s2] =	stream.indirect.scatter.add.f32 [tilespmem:s12], [sflag:$0x3], $0x80, s14, s15, $0xb8;
	[tilespmem:$0x1D000] =	vst v63  }
0xe2: {  	_ =	swait.ge [sflag:s18], $0x4000  }
0xe3: {  	s9 =	smov.u32 s11;
	[sflag:s18] =	ssyncset.done $0x0  }
0xe4: {  	s10 =	smov.u32 s9;
	s9 =	rddreg [dreg:$0x6];
	[sflag:s18] =	ssyncadd.s32 $0xFFFFC000  }
0xe5: {  	[tilespmem:s12], [sflag:$0x1] =	stream.indirect.gather [hbm4b:s4+s15], $0x80, s9, s15, $0xb8;
	[tilespmem:$0x1D000] =	vst v63  }
0xe6: {  	_ =	swait.ge [sflag:s19], $0x4000  }
0xe7: {  	[sflag:s19] =	ssyncset.done $0x0  }
0xe8: {  	s9 =	rddreg [dreg:$0x7];
	[sflag:s19] =	ssyncadd.s32 $0xFFFFC000  }
0xe9: {  	[spmem:s2] =	stream.indirect.scatter.add.f32 [tilespmem:s16], [sflag:$0x4], $0x80, s9, s15, $0xb8;
	[tilespmem:$0x1D000] =	vst v63  }
0xea: {  	_ =	swait.ge [sflag:s20], $0x4000  }
0xeb: {  	[sflag:s20] =	ssyncset.done $0x0  }
0xec: {  	s9 =	rddreg [dreg:$0x8];
	[sflag:s20] =	ssyncadd.s32 $0xFFFFC000  }
0xed: {  	[tilespmem:s16], [sflag:$0x2] =	stream.indirect.gather [hbm4b:s4+s15], $0x80, s9, s15, $0xb8;
	[tilespmem:$0x1D000] =	vst v63  }
0xee: {  	_ =	swait.ge [sflag:s17], $0x4000  }
0xef: {  	[sflag:s17] =	ssyncset.done $0x0  }
0xf0: {  	s9 =	rddreg [dreg:$0x9];
	[sflag:s17] =	ssyncadd.s32 $0xFFFFC000  }
0xf1: {  	[spmem:s2] =	stream.indirect.scatter.add.f32 [tilespmem:s12], [sflag:$0x3], $0x80, s9, s15, $0xb8;
	[tilespmem:$0x1D000] =	vst v63  }
0xf2: {  	_ =	swait.ge [sflag:s18], $0x4000  }
0xf3: {  	[sflag:s18] =	ssyncset.done $0x0  }
0xf4: {  	s9 =	rddreg [dreg:$0xa];
	[sflag:s18] =	ssyncadd.s32 $0xFFFFC000  }
0xf5: {  	[tilespmem:s12], [sflag:$0x1] =	stream.indirect.gather [hbm4b:s4+s15], $0x80, s9, s15, $0xb8;
	[tilespmem:$0x1D000] =	vst v63  }
0xf6: {  	_ =	swait.ge [sflag:s19], $0x4000  }
0xf7: {  	[sflag:s19] =	ssyncset.done $0x0  }
0xf8: {  	s9 =	rddreg [dreg:$0xb];
	[sflag:s19] =	ssyncadd.s32 $0xFFFFC000  }
0xf9: {  	[spmem:s2] =	stream.indirect.scatter.add.f32 [tilespmem:s16], [sflag:$0x4], $0x80, s9, s15, $0xb8;
	[tilespmem:$0x1D000] =	vst v63  }
0xfa: {  	_ =	swait.ge [sflag:s20], $0x4000  }
0xfb: {  	[sflag:s20] =	ssyncset.done $0x0  }
0xfc: {  	s9 =	rddreg [dreg:$0xc];
	[sflag:s20] =	ssyncadd.s32 $0xFFFFC000  }
0xfd: {  	[tilespmem:s16], [sflag:$0x2] =	stream.indirect.gather [hbm4b:s4+s15], $0x80, s9, s15, $0xb8;
	[tilespmem:$0x1D000] =	vst v63  }
0xfe: {  	_ =	swait.ge [sflag:s17], $0x4000  }
0xff: {  	[sflag:s17] =	ssyncset.done $0x0  }
0x100: {  	s9 =	rddreg [dreg:$0xd];
	[sflag:s17] =	ssyncadd.s32 $0xFFFFC000  }
0x101: {  	[spmem:s2] =	stream.indirect.scatter.add.f32 [tilespmem:s12], [sflag:$0x3], $0x80, s9, s15, $0xb8;
	[tilespmem:$0x1D000] =	vst v63  }
0x102: {  	_ =	swait.ge [sflag:s18], $0x4000  }
0x103: {  	[sflag:s18] =	ssyncset.done $0x0  }
0x104: {  	s9 =	rddreg [dreg:$0xe];
	[sflag:s18] =	ssyncadd.s32 $0xFFFFC000  }
0x105: {  	[tilespmem:s12], [sflag:$0x1] =	stream.indirect.gather [hbm4b:s4+s15], $0x80, s9, s15, $0xb8;
	[tilespmem:$0x1D000] =	vst v63  }
0x106: {  	_ =	swait.ge [sflag:s19], $0x4000  }
0x107: {  	[sflag:s19] =	ssyncset.done $0x0  }
0x108: {  	s9 =	rddreg [dreg:$0xf];
	[sflag:s19] =	ssyncadd.s32 $0xFFFFC000  }
0x109: {  	[spmem:s2] =	stream.indirect.scatter.add.f32 [tilespmem:s16], [sflag:$0x4], $0x80, s9, s15, $0xb8;
	[tilespmem:$0x1D000] =	vst v63  }
0x10a: {  	_ =	swait.ge [sflag:s20], $0x4000  }
0x10b: {  	[sflag:s20] =	ssyncset.done $0x0  }
0x10c: {  	s9 =	rddreg [dreg:$0x10];
	[sflag:s20] =	ssyncadd.s32 $0xFFFFC000  }
0x10d: {  	[tilespmem:s16], [sflag:$0x2] =	stream.indirect.gather [hbm4b:s4+s15], $0x80, s9, s15, $0xb8;
	[tilespmem:$0x1D000] =	vst v63  }
0x10e: {  	_ =	swait.ge [sflag:s17], $0x4000  }
0x10f: {  	[sflag:s17] =	ssyncset.done $0x0  }
0x110: {  	s9 =	rddreg [dreg:$0x11];
	[sflag:s17] =	ssyncadd.s32 $0xFFFFC000  }
0x111: {  	[spmem:s2] =	stream.indirect.scatter.add.f32 [tilespmem:s12], [sflag:$0x3], $0x80, s9, s15, $0xb8;
	[tilespmem:$0x1D000] =	vst v63  }
0x112: {  	_ =	swait.ge [sflag:s18], $0x4000  }
0x113: {  	[sflag:s18] =	ssyncset.done $0x0  }
0x114: {  	s9 =	rddreg [dreg:$0x12];
	[sflag:s18] =	ssyncadd.s32 $0xFFFFC000  }
0x115: {  	[tilespmem:s12], [sflag:$0x1] =	stream.indirect.gather [hbm4b:s4+s15], $0x80, s9, s15, $0xb8;
	[tilespmem:$0x1D000] =	vst v63  }
0x116: {  	_ =	swait.ge [sflag:s19], $0x4000  }
0x117: {  	[sflag:s19] =	ssyncset.done $0x0  }
0x118: {  	s9 =	rddreg [dreg:$0x13];
	[sflag:s19] =	ssyncadd.s32 $0xFFFFC000  }
0x119: {  	[spmem:s2] =	stream.indirect.scatter.add.f32 [tilespmem:s16], [sflag:$0x4], $0x80, s9, s15, $0xb8;
	[tilespmem:$0x1D000] =	vst v63  }
0x11a: {  	_ =	swait.ge [sflag:s20], $0x4000  }
0x11b: {  	[sflag:s20] =	ssyncset.done $0x0  }
0x11c: {  	[sflag:s20] =	ssyncadd.s32 $0xFFFFC000  }
0x11d: {  	[tilespmem:s16], [sflag:$0x2] =	stream.indirect.gather [hbm4b:s4+s15], $0x80, s21, s15, $0xb8;
	[tilespmem:$0x1D000] =	vst v63  }
0x11e: {  	_ =	swait.ge [sflag:s17], $0x4000  }
0x11f: {  	[sflag:s17] =	ssyncset.done $0x0  }
0x120: {  	[sflag:s17] =	ssyncadd.s32 $0xFFFFC000  }
0x121: {  	[spmem:s2] =	stream.indirect.scatter.add.f32 [tilespmem:s12], [sflag:$0x3], $0x80, s22, s15, $0xb8;
	[tilespmem:$0x1D000] =	vst v63  }
0x122: {  	_ =	swait.ge [sflag:s18], $0x4000  }
0x123: {  	[sflag:s18] =	ssyncset.done $0x0  }
0x124: {  	[sflag:s18] =	ssyncadd.s32 $0xFFFFC000  }
0x125: {  	[tilespmem:s12], [sflag:$0x1] =	stream.indirect.gather [hbm4b:s4+s15], $0x80, s23, s15, $0xb8;
	[tilespmem:$0x1D000] =	vst v63  }
0x126: {  	_ =	swait.ge [sflag:s19], $0x4000  }
0x127: {  	[sflag:s19] =	ssyncset.done $0x0  }
0x128: {  	[sflag:s19] =	ssyncadd.s32 $0xFFFFC000  }
0x129: {  	[spmem:s2] =	stream.indirect.scatter.add.f32 [tilespmem:s16], [sflag:$0x4], $0x80, s24, s15, $0xb8;
	[tilespmem:$0x1D000] =	vst v63  }
0x12a: {  	_ =	swait.ge [sflag:s20], $0x4000  }
0x12b: {  	[sflag:s20] =	ssyncset.done $0x0  }
0x12c: {  	[sflag:s20] =	ssyncadd.s32 $0xFFFFC000  }
0x12d: {  	[tilespmem:s16], [sflag:$0x2] =	stream.indirect.gather [hbm4b:s4+s15], $0x80, s25, s15, $0xb8;
	[tilespmem:$0x1D000] =	vst v63  }
0x12e: {  	_ =	swait.ge [sflag:s17], $0x4000  }
0x12f: {  	[sflag:s17] =	ssyncset.done $0x0  }
0x130: {  	[sflag:s17] =	ssyncadd.s32 $0xFFFFC000  }
0x131: {  	[spmem:s2] =	stream.indirect.scatter.add.f32 [tilespmem:s12], [sflag:$0x3], $0x80, s26, s15, $0xb8;
	[tilespmem:$0x1D000] =	vst v63  }
0x132: {  	_ =	swait.ge [sflag:s18], $0x4000  }
0x133: {  	[sflag:s18] =	ssyncset.done $0x0  }
0x134: {  	[sflag:s18] =	ssyncadd.s32 $0xFFFFC000  }
0x135: {  	[tilespmem:s12], [sflag:$0x1] =	stream.indirect.gather [hbm4b:s4+s15], $0x80, s28, s15, $0xb8;
	[tilespmem:$0x1D000] =	vst v63  }
0x136: {  	_ =	swait.ge [sflag:s19], $0x4000  }
0x137: {  	[sflag:s19] =	ssyncset.done $0x0  }
0x138: {  	[sflag:s19] =	ssyncadd.s32 $0xFFFFC000  }
0x139: {  	[spmem:s2] =	stream.indirect.scatter.add.f32 [tilespmem:s16], [sflag:$0x4], $0x80, s29, s15, $0xb8;
	[tilespmem:$0x1D000] =	vst v63  }
0x13a: {  	_ =	swait.ge [sflag:s20], $0x4000  }
0x13b: {  	[sflag:s20] =	ssyncset.done $0x0  }
0x13c: {  	[sflag:s20] =	ssyncadd.s32 $0xFFFFC000  }
0x13d: {  	[tilespmem:s16], [sflag:$0x2] =	stream.indirect.gather [hbm4b:s4+s15], $0x80, s30, s15, $0xb8;
	[tilespmem:$0x1D000] =	vst v63  }
0x13e: {  	_ =	swait.ge [sflag:s17], $0x4000  }
0x13f: {  	[sflag:s17] =	ssyncset.done $0x0  }
0x140: {  	[sflag:s17] =	ssyncadd.s32 $0xFFFFC000  }
0x141: {  	[spmem:s2] =	stream.indirect.scatter.add.f32 [tilespmem:s12], [sflag:$0x3], $0x80, s31, s15, $0xb8;
	[tilespmem:$0x1D000] =	vst v63  }
0x142: {  	_ =	swait.ge [sflag:s18], $0x4000  }
0x143: {  	[sflag:s18] =	ssyncset.done $0x0  }
0x144: {  	[sflag:s18] =	ssyncadd.s32 $0xFFFFC000  }
0x145: {  	[tilespmem:s12], [sflag:$0x1] =	stream.indirect.gather [hbm4b:s4+s15], $0x80, s0, s15, $0xb8;
	[tilespmem:$0x1D000] =	vst v63  }
0x146: {  	_ =	swait.ge [sflag:s19], $0x4000  }
0x147: {  	[sflag:s19] =	ssyncset.done $0x0  }
0x148: {  	[sflag:s19] =	ssyncadd.s32 $0xFFFFC000  }
0x149: {  	[spmem:s2] =	stream.indirect.scatter.add.f32 [tilespmem:s16], [sflag:$0x4], $0x80, s1, s15, $0xb8;
	[tilespmem:$0x1D000] =	vst v63  }
0x14a: {  	_ =	swait.ge [sflag:s20], $0x4000  }
0x14b: {  	[sflag:s20] =	ssyncset.done $0x0  }
0x14c: {  	[sflag:s20] =	ssyncadd.s32 $0xFFFFC000  }
0x14d: {  	[tilespmem:s16], [sflag:$0x2] =	stream.indirect.gather [hbm4b:s4+s15], $0x80, s6, s15, $0xb8;
	[tilespmem:$0x1D000] =	vst v63  }
0x14e: {  	_ =	swait.ge [sflag:s17], $0x4000  }
0x14f: {  	[sflag:s17] =	ssyncset.done $0x0  }
0x150: {  	[sflag:s17] =	ssyncadd.s32 $0xFFFFC000  }
0x151: {  	[spmem:s2] =	stream.indirect.scatter.add.f32 [tilespmem:s12], [sflag:$0x3], $0x80, s7, s15, $0xb8;
	[tilespmem:$0x1D000] =	vst v63  }
0x152: {  	_ =	swait.ge [sflag:s19], $0x4000  }
0x153: {  	[sflag:s19] =	ssyncset.done $0x0  }
0x154: {  	p0 =	sne.s32 s11, $0x400;
	[sflag:s19] =	ssyncadd.s32 $0xFFFFC000  }
0x155: {  	[spmem:s2] =	stream.indirect.scatter.add.f32 [tilespmem:s16], [sflag:$0x4], $0x80, s8, s15, $0xb8;
	[tilespmem:$0x1D000] =	vst v63  }
.Ltmp1:
0x156: {  	_ =	swait.ge [sflag:s18], $0x4000;
	(pc) =	sbr.rel @p0 .LBB2_4-.Ltmp1, $4  }
0x157: {  	[sflag:s18] =	ssyncset.done $0x0  }
0x158: {  	[sflag:s18] =	ssyncadd.s32 $0xFFFFC000  }
0x159: {  	_ =	swait.ge [sflag:s20], $0x4000  }
0x15a: {  	s11 =	sadd.s32 $0x100, s11;
	s5 =	rddreg [dreg:$0x5];
	[sflag:s20] =	ssyncset.done $0x0  }
0x15b: {  	[sflag:s20] =	ssyncadd.s32 $0xFFFFC000;
	s5 =	sadd.s32 s10, s5  }
0x15c: {  	[tilespmem:s3], [sflag:$0x5] =	stream.linear.gather [hbm4b:s5+s3], $0x800, $0x38;
	[tilespmem:$0x1D000] =	vst v63  }
0x15d: {  	_ =	swait.ge [sflag:s13], $0x800  }
0x15e: {  	s9 =	rddreg [dreg:$0x4];
	[sflag:s13] =	ssyncset.done $0x0  }
0x15f: {  	[sflag:s13] =	ssyncadd.s32 $0xFFFFF800;
	s5 =	sadd.s32 s10, s9  }
0x160: {  	[tilespmem:s14], [sflag:$0x5] =	stream.linear.gather [hbm4b:s5+s3], $0x800, $0x38;
	[tilespmem:$0x1D000] =	vst v63  }
0x161: {  	_ =	swait.ge [sflag:s13], $0x800  }
0x162: {  	[sflag:s13] =	ssyncset.done $0x0  }
0x163: {  	[sflag:s13] =	ssyncadd.s32 $0xFFFFF800  }
0x164: {  	[tilespmem:s12], [sflag:$0x1] =	stream.indirect.gather [hbm4b:s4+s15], $0x80, s3, s15, $0xb8;
	[tilespmem:$0x1D000] =	vst v63  }
0x165: {  	_ = 	snop  }
0x166: {  	[tilespmem:s16], [sflag:$0x2] =	stream.indirect.gather [hbm4b:s4+s15], $0x80, s15, s15, $0xb8;
	[tilespmem:$0x1D000] =	vst v63  }
0x167: {  	_ =	swait.ge [sflag:s17], $0x4000  }
0x168: {  	[sflag:s17] =	ssyncset.done $0x0  }
0x169: {  	[sflag:s17] =	ssyncadd.s32 $0xFFFFC000  }
0x16a: {  	[spmem:s2] =	stream.indirect.scatter.add.f32 [tilespmem:s12], [sflag:$0x3], $0x80, s14, s15, $0xb8;
	[tilespmem:$0x1D000] =	vst v63  }
0x16b: {  	_ =	swait.ge [sflag:s18], $0x4000  }
0x16c: {  	[sflag:s18] =	ssyncset.done $0x0  }
0x16d: {  	s11 =	rddreg [dreg:$0x6];
	[sflag:s18] =	ssyncadd.s32 $0xFFFFC000  }
0x16e: {  	[tilespmem:s12], [sflag:$0x1] =	stream.indirect.gather [hbm4b:s4+s15], $0x80, s11, s15, $0xb8;
	[tilespmem:$0x1D000] =	vst v63  }
0x16f: {  	_ =	swait.ge [sflag:s19], $0x4000  }
0x170: {  	[sflag:s19] =	ssyncset.done $0x0  }
0x171: {  	s9 =	rddreg [dreg:$0x7];
	[sflag:s19] =	ssyncadd.s32 $0xFFFFC000  }
0x172: {  	[spmem:s2] =	stream.indirect.scatter.add.f32 [tilespmem:s16], [sflag:$0x4], $0x80, s9, s15, $0xb8;
	[tilespmem:$0x1D000] =	vst v63  }
0x173: {  	_ =	swait.ge [sflag:s20], $0x4000  }
0x174: {  	[sflag:s20] =	ssyncset.done $0x0  }
0x175: {  	s10 =	rddreg [dreg:$0x8];
	[sflag:s20] =	ssyncadd.s32 $0xFFFFC000  }
0x176: {  	[tilespmem:s16], [sflag:$0x2] =	stream.indirect.gather [hbm4b:s4+s15], $0x80, s10, s15, $0xb8;
	[tilespmem:$0x1D000] =	vst v63  }
0x177: {  	_ =	swait.ge [sflag:s17], $0x4000  }
0x178: {  	[sflag:s17] =	ssyncset.done $0x0  }
0x179: {  	s11 =	rddreg [dreg:$0x9];
	[sflag:s17] =	ssyncadd.s32 $0xFFFFC000  }
0x17a: {  	[spmem:s2] =	stream.indirect.scatter.add.f32 [tilespmem:s12], [sflag:$0x3], $0x80, s11, s15, $0xb8;
	[tilespmem:$0x1D000] =	vst v63  }
0x17b: {  	_ =	swait.ge [sflag:s18], $0x4000  }
0x17c: {  	[sflag:s18] =	ssyncset.done $0x0  }
0x17d: {  	s9 =	rddreg [dreg:$0xa];
	[sflag:s18] =	ssyncadd.s32 $0xFFFFC000  }
0x17e: {  	[tilespmem:s12], [sflag:$0x1] =	stream.indirect.gather [hbm4b:s4+s15], $0x80, s9, s15, $0xb8;
	[tilespmem:$0x1D000] =	vst v63  }
0x17f: {  	_ =	swait.ge [sflag:s19], $0x4000  }
0x180: {  	[sflag:s19] =	ssyncset.done $0x0  }
0x181: {  	s10 =	rddreg [dreg:$0xb];
	[sflag:s19] =	ssyncadd.s32 $0xFFFFC000  }
0x182: {  	[spmem:s2] =	stream.indirect.scatter.add.f32 [tilespmem:s16], [sflag:$0x4], $0x80, s10, s15, $0xb8;
	[tilespmem:$0x1D000] =	vst v63  }
0x183: {  	_ =	swait.ge [sflag:s20], $0x4000  }
0x184: {  	[sflag:s20] =	ssyncset.done $0x0  }
0x185: {  	s11 =	rddreg [dreg:$0xc];
	[sflag:s20] =	ssyncadd.s32 $0xFFFFC000  }
0x186: {  	[tilespmem:s16], [sflag:$0x2] =	stream.indirect.gather [hbm4b:s4+s15], $0x80, s11, s15, $0xb8;
	[tilespmem:$0x1D000] =	vst v63  }
0x187: {  	_ =	swait.ge [sflag:s17], $0x4000  }
0x188: {  	[sflag:s17] =	ssyncset.done $0x0  }
0x189: {  	s9 =	rddreg [dreg:$0xd];
	[sflag:s17] =	ssyncadd.s32 $0xFFFFC000  }
0x18a: {  	[spmem:s2] =	stream.indirect.scatter.add.f32 [tilespmem:s12], [sflag:$0x3], $0x80, s9, s15, $0xb8;
	[tilespmem:$0x1D000] =	vst v63  }
0x18b: {  	_ =	swait.ge [sflag:s18], $0x4000  }
0x18c: {  	[sflag:s18] =	ssyncset.done $0x0  }
0x18d: {  	s10 =	rddreg [dreg:$0xe];
	[sflag:s18] =	ssyncadd.s32 $0xFFFFC000  }
0x18e: {  	[tilespmem:s12], [sflag:$0x1] =	stream.indirect.gather [hbm4b:s4+s15], $0x80, s10, s15, $0xb8;
	[tilespmem:$0x1D000] =	vst v63  }
0x18f: {  	_ =	swait.ge [sflag:s19], $0x4000  }
0x190: {  	[sflag:s19] =	ssyncset.done $0x0  }
0x191: {  	s11 =	rddreg [dreg:$0xf];
	[sflag:s19] =	ssyncadd.s32 $0xFFFFC000  }
0x192: {  	[spmem:s2] =	stream.indirect.scatter.add.f32 [tilespmem:s16], [sflag:$0x4], $0x80, s11, s15, $0xb8;
	[tilespmem:$0x1D000] =	vst v63  }
0x193: {  	_ =	swait.ge [sflag:s20], $0x4000  }
0x194: {  	[sflag:s20] =	ssyncset.done $0x0  }
0x195: {  	s9 =	rddreg [dreg:$0x10];
	[sflag:s20] =	ssyncadd.s32 $0xFFFFC000  }
0x196: {  	[tilespmem:s16], [sflag:$0x2] =	stream.indirect.gather [hbm4b:s4+s15], $0x80, s9, s15, $0xb8;
	[tilespmem:$0x1D000] =	vst v63  }
0x197: {  	_ =	swait.ge [sflag:s17], $0x4000  }
0x198: {  	[sflag:s17] =	ssyncset.done $0x0  }
0x199: {  	s10 =	rddreg [dreg:$0x11];
	[sflag:s17] =	ssyncadd.s32 $0xFFFFC000  }
0x19a: {  	[spmem:s2] =	stream.indirect.scatter.add.f32 [tilespmem:s12], [sflag:$0x3], $0x80, s10, s15, $0xb8;
	[tilespmem:$0x1D000] =	vst v63  }
0x19b: {  	_ =	swait.ge [sflag:s18], $0x4000  }
0x19c: {  	[sflag:s18] =	ssyncset.done $0x0  }
0x19d: {  	s11 =	rddreg [dreg:$0x12];
	[sflag:s18] =	ssyncadd.s32 $0xFFFFC000  }
0x19e: {  	[tilespmem:s12], [sflag:$0x1] =	stream.indirect.gather [hbm4b:s4+s15], $0x80, s11, s15, $0xb8;
	[tilespmem:$0x1D000] =	vst v63  }
0x19f: {  	_ =	swait.ge [sflag:s19], $0x4000  }
0x1a0: {  	[sflag:s19] =	ssyncset.done $0x0  }
0x1a1: {  	s9 =	rddreg [dreg:$0x13];
	[sflag:s19] =	ssyncadd.s32 $0xFFFFC000  }
0x1a2: {  	[spmem:s2] =	stream.indirect.scatter.add.f32 [tilespmem:s16], [sflag:$0x4], $0x80, s9, s15, $0xb8;
	[tilespmem:$0x1D000] =	vst v63  }
0x1a3: {  	_ =	swait.ge [sflag:s20], $0x4000  }
0x1a4: {  	[sflag:s20] =	ssyncset.done $0x0  }
0x1a5: {  	[sflag:s20] =	ssyncadd.s32 $0xFFFFC000  }
0x1a6: {  	[tilespmem:s16], [sflag:$0x2] =	stream.indirect.gather [hbm4b:s4+s15], $0x80, s21, s15, $0xb8;
	[tilespmem:$0x1D000] =	vst v63  }
0x1a7: {  	_ =	swait.ge [sflag:s17], $0x4000  }
0x1a8: {  	[sflag:s17] =	ssyncset.done $0x0  }
0x1a9: {  	[sflag:s17] =	ssyncadd.s32 $0xFFFFC000  }
0x1aa: {  	[spmem:s2] =	stream.indirect.scatter.add.f32 [tilespmem:s12], [sflag:$0x3], $0x80, s22, s15, $0xb8;
	[tilespmem:$0x1D000] =	vst v63  }
0x1ab: {  	_ =	swait.ge [sflag:s18], $0x4000  }
0x1ac: {  	[sflag:s18] =	ssyncset.done $0x0  }
0x1ad: {  	[sflag:s18] =	ssyncadd.s32 $0xFFFFC000  }
0x1ae: {  	[tilespmem:s12], [sflag:$0x1] =	stream.indirect.gather [hbm4b:s4+s15], $0x80, s23, s15, $0xb8;
	[tilespmem:$0x1D000] =	vst v63  }
0x1af: {  	_ =	swait.ge [sflag:s19], $0x4000  }
0x1b0: {  	[sflag:s19] =	ssyncset.done $0x0  }
0x1b1: {  	[sflag:s19] =	ssyncadd.s32 $0xFFFFC000  }
0x1b2: {  	[spmem:s2] =	stream.indirect.scatter.add.f32 [tilespmem:s16], [sflag:$0x4], $0x80, s24, s15, $0xb8;
	[tilespmem:$0x1D000] =	vst v63  }
0x1b3: {  	_ =	swait.ge [sflag:s20], $0x4000  }
0x1b4: {  	[sflag:s20] =	ssyncset.done $0x0  }
0x1b5: {  	[sflag:s20] =	ssyncadd.s32 $0xFFFFC000  }
0x1b6: {  	[tilespmem:s16], [sflag:$0x2] =	stream.indirect.gather [hbm4b:s4+s15], $0x80, s25, s15, $0xb8;
	[tilespmem:$0x1D000] =	vst v63  }
0x1b7: {  	_ =	swait.ge [sflag:s17], $0x4000  }
0x1b8: {  	[sflag:s17] =	ssyncset.done $0x0  }
0x1b9: {  	[sflag:s17] =	ssyncadd.s32 $0xFFFFC000  }
0x1ba: {  	[spmem:s2] =	stream.indirect.scatter.add.f32 [tilespmem:s12], [sflag:$0x3], $0x80, s26, s15, $0xb8;
	[tilespmem:$0x1D000] =	vst v63  }
0x1bb: {  	_ =	swait.ge [sflag:s18], $0x4000  }
0x1bc: {  	[sflag:s18] =	ssyncset.done $0x0  }
0x1bd: {  	[sflag:s18] =	ssyncadd.s32 $0xFFFFC000  }
0x1be: {  	[tilespmem:s12], [sflag:$0x1] =	stream.indirect.gather [hbm4b:s4+s15], $0x80, s28, s15, $0xb8;
	[tilespmem:$0x1D000] =	vst v63  }
0x1bf: {  	_ =	swait.ge [sflag:s19], $0x4000  }
0x1c0: {  	[sflag:s19] =	ssyncset.done $0x0  }
0x1c1: {  	[sflag:s19] =	ssyncadd.s32 $0xFFFFC000  }
0x1c2: {  	[spmem:s2] =	stream.indirect.scatter.add.f32 [tilespmem:s16], [sflag:$0x4], $0x80, s29, s15, $0xb8;
	[tilespmem:$0x1D000] =	vst v63  }
0x1c3: {  	_ =	swait.ge [sflag:s20], $0x4000  }
0x1c4: {  	[sflag:s20] =	ssyncset.done $0x0  }
0x1c5: {  	[sflag:s20] =	ssyncadd.s32 $0xFFFFC000  }
0x1c6: {  	[tilespmem:s16], [sflag:$0x2] =	stream.indirect.gather [hbm4b:s4+s15], $0x80, s30, s15, $0xb8;
	[tilespmem:$0x1D000] =	vst v63  }
0x1c7: {  	_ =	swait.ge [sflag:s17], $0x4000  }
0x1c8: {  	[sflag:s17] =	ssyncset.done $0x0  }
0x1c9: {  	[sflag:s17] =	ssyncadd.s32 $0xFFFFC000  }
0x1ca: {  	[spmem:s2] =	stream.indirect.scatter.add.f32 [tilespmem:s12], [sflag:$0x3], $0x80, s31, s15, $0xb8;
	[tilespmem:$0x1D000] =	vst v63  }
0x1cb: {  	_ =	swait.ge [sflag:s18], $0x4000  }
0x1cc: {  	[sflag:s18] =	ssyncset.done $0x0  }
0x1cd: {  	[sflag:s18] =	ssyncadd.s32 $0xFFFFC000  }
0x1ce: {  	[tilespmem:s12], [sflag:$0x1] =	stream.indirect.gather [hbm4b:s4+s15], $0x80, s0, s15, $0xb8;
	[tilespmem:$0x1D000] =	vst v63  }
0x1cf: {  	_ =	swait.ge [sflag:s19], $0x4000  }
0x1d0: {  	[sflag:s19] =	ssyncset.done $0x0  }
0x1d1: {  	[sflag:s19] =	ssyncadd.s32 $0xFFFFC000  }
0x1d2: {  	[spmem:s2] =	stream.indirect.scatter.add.f32 [tilespmem:s16], [sflag:$0x4], $0x80, s1, s15, $0xb8;
	[tilespmem:$0x1D000] =	vst v63  }
0x1d3: {  	_ =	swait.ge [sflag:s20], $0x4000  }
0x1d4: {  	[sflag:s20] =	ssyncset.done $0x0  }
0x1d5: {  	[sflag:s20] =	ssyncadd.s32 $0xFFFFC000  }
0x1d6: {  	[tilespmem:s16], [sflag:$0x2] =	stream.indirect.gather [hbm4b:s4+s15], $0x80, s6, s15, $0xb8;
	[tilespmem:$0x1D000] =	vst v63  }
0x1d7: {  	_ =	swait.ge [sflag:s17], $0x4000  }
0x1d8: {  	[sflag:s17] =	ssyncset.done $0x0  }
0x1d9: {  	[sflag:s17] =	ssyncadd.s32 $0xFFFFC000  }
0x1da: {  	[spmem:s2] =	stream.indirect.scatter.add.f32 [tilespmem:s12], [sflag:$0x3], $0x80, s7, s15, $0xb8;
	[tilespmem:$0x1D000] =	vst v63  }
0x1db: {  	_ =	swait.ge [sflag:s19], $0x4000  }
0x1dc: {  	[sflag:s19] =	ssyncset.done $0x0  }
0x1dd: {  	[sflag:s19] =	ssyncadd.s32 $0xFFFFC000  }
0x1de: {  	[spmem:s2] =	stream.indirect.scatter.add.f32 [tilespmem:s16], [sflag:$0x4], $0x80, s8, s15, $0xb8;
	[tilespmem:$0x1D000] =	vst v63  }
0x1df: {  	_ =	swait.ge [sflag:s18], $0x4000  }
0x1e0: {  	[sflag:s18] =	ssyncset.done $0x0  }
0x1e1: {  	[sflag:s18] =	ssyncadd.s32 $0xFFFFC000  }
0x1e2: {  	_ =	swait.ge [sflag:s20], $0x4000  }
0x1e3: {  	[sflag:s20] =	ssyncset.done $0x0  }
0x1e4: {  	[sflag:s20] =	ssyncadd.s32 $0xFFFFC000  }
0x1e5: {  	s10 =	stileid.u32;
	[bflag:$0x0] =	sbarrier.arrive $0xFFFF  }
0x1e6: {  	s5 =	sshll.u32 s10, $0x6;
	s9 =	rddreg [dreg:$0x14]  }
0x1e7: {  	s5 =	sor.u32 $0x1C05, s5;
	s11 =	rddreg [dreg:$0x15];
	s9 =	sshrl.u32 s9, $0x3  }
0x1e8: {  	[hbm:s11], [sflag:s5] =	dma.local [spmem:s9], $0x2800  }
0x1e9: {  	_ =	swait.ge [sflag:s13], $0x2800  }
0x1ea: {  	s10 =	rddreg [dreg:$0x1b]  }
0x1eb: {  	s11 =	rddreg [dreg:$0x16];
	s9 =	sadd.s32 $0x1, s10  }
0x1ec: {  	p0 =	sne.s32 s9, s11  }
.Ltmp2:
0x1ed: {  	_ = 	snop;
	(pc) =	sbr.rel @p0 .LBB2_1-.Ltmp2, $3  }
0x1ee: {  	_ =	sdelay $0x1  }
0x1ef: {  	[sflag:s13] =	ssyncset.done $0x0  }
0x1f0: {  	[sflag:s13] =	ssyncadd.s32 $0xFFFFD800  }
0x1f1: {  	_ =	sfence.sel $0x180000  }
0x1f2: {  	[bflag:$0x0] =	sbarrier.arrive $0xFFFF  }
0x1f3: {  	_ =	strace $0x9000004A  }
0x1f4: {  	s0 =	stileid.u32;
	[bflag:$0x2] =	sbarrier.arrive $0xFFFF  }
0x1f5: {  	p0 =	sne.s32 s0, $0x0;
	s0 =	rddreg [dreg:$0x3]  }
0x1f6: {  	s0 =	sadd.s32 @!p0 $0x100000, s0  }
0x1f7: {  	[sflag:s0] =	ssyncadd.tile.s32 @!p0 $0x1;
	_ =	shalt  }
.Lfunc_end2:
_tile_overlayer_lowered:
.L_overlay_start_2:
0x1f8: {  	(tag) =	ssettag $0x2  }
0x1f9: {  	s0 =	rddreg [dreg:$0x0];
	s2 =	stileid.u32  }
0x1fa: {  	s1 =	rddreg [dreg:$0x1];
	p0 =	sne.s32 s2, $0x0  }
0x1fb: {  	s3 =	rddreg [dreg:$0x2];
	[bflag:$0x3] =	sbarrier.arrive $0xFFFF;
	s2 =	simm.s32 @!p0 $0x1C05  }
0x1fc: {  	[timem:s3], [sflag:s2] =	dma.local @!p0 [hbm:s0], s1  }
0x1fd: {  	s0 =	simm.s32 @!p0 $0x5  }
0x1fe: {  	_ =	swait.ge @!p0 [sflag:s0], s1  }
0x1ff: {  	s1 =	ssub.s32 @!p0 $0x0, s1;
	[sflag:s0] =	ssyncset.done @!p0 $0x0  }
0x200: {  	[sflag:s0] =	ssyncadd.s32 @!p0 s1  }
0x201: {  	[bflag:$0x3] =	sbarrier.arrive $0xFFFF  }
0x202: {  	_ =	shalt  }

</sc_bundles>
